<compile_context>
chip_gen: v7x
topology: tpu7x:2x2x1
jax: 0.10.2.dev20260603
libtpu: 0.0.44.dev20260713+nightly
codegen_flags: <defaults>
</compile_context>

<pallas_src>
import jax
import jax.numpy as jnp
from jax import lax
from jax.experimental import pallas as pl
from jax.experimental.pallas import tpu as pltpu
from jax.experimental.pallas import tpu_sc as plsc

N = 16384
C = 1000
L = 16
NC = 2
NS = 16
NW = NC * NS
BPW = N // NW
GCH = 128
NG = BPW // GCH
VPG = GCH // L

_LN2 = 0.693147180559945
_SQRT2 = 1.4142135623730951
_SCALE = float(1 << 14)

_P5 = 0.1702839086
_P4 = -0.2710963805
_P3 = 0.3376101762
_P2 = -0.499335908
_P1 = 0.9999100203
_P0 = -3.3316e-06

_mesh = plsc.VectorSubcoreMesh(core_axis_name="c", subcore_axis_name="s")


def _log_f32(x):
    bits = plsc.bitcast(x, jnp.int32)
    e = bits >> 23
    m = plsc.bitcast((bits & 0x7FFFFF) | 0x3F800000, jnp.float32)
    big = m > jnp.float32(_SQRT2)
    z = jnp.where(big, m * 0.5, m) - 1.0
    ee = e.astype(jnp.float32) + jnp.where(big, jnp.float32(1.0),
                                           jnp.float32(0.0))
    p = jnp.float32(_P5)
    p = p * z + _P4
    p = p * z + _P3
    p = p * z + _P2
    p = p * z + _P1
    p = p * z + _P0
    return p + (ee - 127.0) * jnp.float32(_LN2)


def _nll_sc_body(flat_hbm, addr_hbm, out_hbm, idx_v, vals_v, stage_v,
                 cnt_s, sem, isem):
    cid = lax.axis_index("c")
    sid = lax.axis_index("s")
    wid = cid * NS + sid

    @pl.when(sid == 0)
    def _():
        cnt_s[0] = jnp.int32(0)

    idx_copies = [
        pltpu.async_copy(addr_hbm.at[pl.ds(wid * NG + g, 1)],
                         idx_v.at[pl.ds(g, 1)], isem)
        for g in range(NG)
    ]
    copies = []
    for g in range(NG):
        idx_copies[g].wait()
        copies.append(pltpu.async_copy(flat_hbm.at[idx_v.at[g]],
                                       vals_v.at[pl.ds(g * GCH, GCH)], sem))

    acc = jnp.zeros((L,), jnp.float32)
    for g in range(NG):
        copies[g].wait()

        def log_body(jj, a, g=g):
            return a + _log_f32(vals_v[pl.ds((g * VPG + jj) * L, L)])

        acc = lax.fori_loop(0, VPG, log_body, acc, unroll=2)

    fx = (jnp.sum(acc) * _SCALE).astype(jnp.int32)
    plsc.fetch_and_add(cnt_s.at[0], fx, subcore_id=0)
    plsc.subcore_barrier()

    @pl.when(sid == 0)
    def _():
        tot = cnt_s[0].astype(jnp.float32) * (-1.0 / (_SCALE * N))
        stage_v[...] = jnp.full((L,), tot, jnp.float32)
        pltpu.sync_copy(stage_v, out_hbm.at[cid])


_SCRATCH = [
    pltpu.VMEM((NG, GCH), jnp.int32),
    pltpu.VMEM((BPW,), jnp.float32),
    pltpu.VMEM((L,), jnp.float32),
    pltpu.SMEM((8,), jnp.int32),
    pltpu.SemaphoreType.DMA,
    pltpu.SemaphoreType.DMA,
]

_nll_sc = pl.kernel(
    _nll_sc_body,
    out_type=jax.ShapeDtypeStruct((NC, L), jnp.float32),
    mesh=_mesh,
    scratch_types=_SCRATCH,
    compiler_params=pltpu.CompilerParams(needs_layout_passes=False),
)


def kernel(inputs, targets):
    flat = (inputs.T.reshape(C // 8, 8, N // 128, 128)
            .transpose(0, 2, 1, 3).reshape(N * C))
    i = lax.iota(jnp.int32, N)
    c = targets.astype(jnp.int32)
    addr = ((c >> 3) << 17) + ((i >> 7) << 10) + ((c & 7) << 7) + (i & 127)
    out = _nll_sc(flat, addr.reshape(NW * NG, GCH))
    return out[0, 0] + out[1, 0]

# --- scband reference (transcript-rebuilt; emitter-appended) ---
"""Pipeline reference for scband-custom-nllloss-74560632258921 (READ-ONLY COPY).

The authoritative reference and input builder live on the scoring server;
editing this copy changes nothing except your own understanding.
"""

import jax, jax.numpy as jnp
import numpy as np

def setup_inputs(seed: int = 0) -> dict:
    key = jax.random.key(seed)
    k1, k2 = jax.random.split(key)
    # inputs must be positive probabilities for log(); use uniform in (eps, 1)
    inputs = jax.random.uniform(k1, (16384, 1000), dtype=jnp.float32, minval=1e-6, maxval=1.0)
    targets = jax.random.randint(k2, (16384,), 0, 1000, dtype=jnp.int64)
    return {"inputs": inputs, "targets": targets}

def reference(inputs, targets):
    n = targets.shape[0]
    gathered = inputs[jnp.arange(n), targets]
    out = jnp.log(gathered)
    return -out.sum() / n

if __name__ == "__main__":
    import jax
    _d = setup_inputs()
    print(jax.jit(kernel)(*tuple(_d.values())))

</pallas_src>

<mosaic_0001>
#map = affine_map<(d0, d1) -> (0)>
#map1 = affine_map<(d0, d1) -> (0, 0)>
module attributes {stable_mosaic.version = 14 : i64} {
  func.func @_nll_sc_body(%arg0: i32, %arg1: i32, %arg2: memref<16384000xf32, #tpu.memory_space<hbm>>, %arg3: memref<128x128xi32, #tpu.memory_space<hbm>>, %arg4: memref<2x16xf32, #tpu.memory_space<hbm>>, %arg5: memref<4x128xi32, #tpu.memory_space<vmem>>, %arg6: memref<512xf32, #tpu.memory_space<vmem>>, %arg7: memref<16xf32, #tpu.memory_space<vmem>>, %arg8: memref<8xi32, #tpu.memory_space<smem>>, %arg9: memref<!tpu.dma_semaphore, #tpu.memory_space<semaphore_mem>>, %arg10: memref<!tpu.dma_semaphore, #tpu.memory_space<semaphore_mem>>) attributes {dimension_semantics = [#tpu.dimension_semantics<core_parallel>, #tpu.dimension_semantics<subcore_parallel>], iteration_bounds = array<i64: 2, 16>, scalar_prefetch = 0 : i64, scratch_operands = 6 : i64, tpu.core_type = #tpu.core_type<sc_vector_subcore>, window_params = [{transform_indices = #map}, {transform_indices = #map1}, {transform_indices = #map1}]} {
    %mul3A = arith.constant 16 : i32
    %mul3A_0 = arith.muli %arg0, %mul3A : i32
    %add3A = arith.addi %mul3A_0, %arg1 : i32
    %eq3A = arith.constant 0 : i32
    %eq3A_1 = arith.cmpi eq, %arg1, %eq3A : i32
    %convert_element_type3A = arith.extui %eq3A_1 : i1 to i32
    %cond3A = arith.constant 0 : i32
    %cond3A_2 = arith.cmpi ne, %convert_element_type3A, %cond3A : i32
    scf.if %cond3A_2 {
      %swap3A = arith.constant 0 : i32
      %swap3A_198 = arith.constant 0 : i32
      %swap3A_199 = arith.index_cast %swap3A_198 : i32 to index
      %swap3A_200 = memref.load %arg8[%swap3A_199] : memref<8xi32, #tpu.memory_space<smem>>
      memref.store %swap3A, %arg8[%swap3A_199] : memref<8xi32, #tpu.memory_space<smem>>
    } else {
    }
    %mul3A_3 = arith.constant 4 : i32
    %mul3A_4 = arith.muli %add3A, %mul3A_3 : i32
    %add3A_5 = arith.constant 0 : i32
    %add3A_6 = arith.addi %mul3A_4, %add3A_5 : i32
    %dma_start3A = arith.constant 0 : i32
    %dma_start3A_7 = arith.constant 0 : i32
    %dma_start3A_8 = tpu.memref_slice %arg5[%dma_start3A, %dma_start3A_7] : memref<4x128xi32, #tpu.memory_space<vmem>> -> memref<1x128xi32, #tpu.memory_space<vmem>>
    %dma_start3A_9 = arith.constant 0 : i32
    %dma_start3A_10 = tpu.memref_slice %arg3[%add3A_6, %dma_start3A_9] : memref<128x128xi32, #tpu.memory_space<hbm>> -> memref<1x128xi32, #tpu.memory_space<hbm>>
    %dma_start3A_11 = arith.constant 0 : i32
    %dma_start3A_12 = arith.constant 0 : i32
    %dma_start3A_13 = tpu.memref_slice %arg5[%dma_start3A_11, %dma_start3A_12] : memref<4x128xi32, #tpu.memory_space<vmem>> -> memref<1x128xi32, #tpu.memory_space<vmem>>
    %dma_start3A_14 = arith.constant 0 : i32
    %dma_start3A_15 = tpu.memref_slice %arg3[%add3A_6, %dma_start3A_14] : memref<128x128xi32, #tpu.memory_space<hbm>> -> memref<1x128xi32, #tpu.memory_space<hbm>>
    tpu.enqueue_dma source(%dma_start3A_15 : memref<1x128xi32, #tpu.memory_space<hbm>>) target(%dma_start3A_13 : memref<1x128xi32, #tpu.memory_space<vmem>>) target_semaphore(%arg10 : memref<!tpu.dma_semaphore, #tpu.memory_space<semaphore_mem>>)
    %mul3A_16 = arith.constant 4 : i32
    %mul3A_17 = arith.muli %add3A, %mul3A_16 : i32
    %add3A_18 = arith.constant 1 : i32
    %add3A_19 = arith.addi %mul3A_17, %add3A_18 : i32
    %dma_start3A_20 = arith.constant 1 : i32
    %dma_start3A_21 = arith.constant 0 : i32
    %dma_start3A_22 = tpu.memref_slice %arg5[%dma_start3A_20, %dma_start3A_21] : memref<4x128xi32, #tpu.memory_space<vmem>> -> memref<1x128xi32, #tpu.memory_space<vmem>>
    %dma_start3A_23 = arith.constant 0 : i32
    %dma_start3A_24 = tpu.memref_slice %arg3[%add3A_19, %dma_start3A_23] : memref<128x128xi32, #tpu.memory_space<hbm>> -> memref<1x128xi32, #tpu.memory_space<hbm>>
    %dma_start3A_25 = arith.constant 1 : i32
    %dma_start3A_26 = arith.constant 0 : i32
    %dma_start3A_27 = tpu.memref_slice %arg5[%dma_start3A_25, %dma_start3A_26] : memref<4x128xi32, #tpu.memory_space<vmem>> -> memref<1x128xi32, #tpu.memory_space<vmem>>
    %dma_start3A_28 = arith.constant 0 : i32
    %dma_start3A_29 = tpu.memref_slice %arg3[%add3A_19, %dma_start3A_28] : memref<128x128xi32, #tpu.memory_space<hbm>> -> memref<1x128xi32, #tpu.memory_space<hbm>>
    tpu.enqueue_dma source(%dma_start3A_29 : memref<1x128xi32, #tpu.memory_space<hbm>>) target(%dma_start3A_27 : memref<1x128xi32, #tpu.memory_space<vmem>>) target_semaphore(%arg10 : memref<!tpu.dma_semaphore, #tpu.memory_space<semaphore_mem>>)
    %mul3A_30 = arith.constant 4 : i32
    %mul3A_31 = arith.muli %add3A, %mul3A_30 : i32
    %add3A_32 = arith.constant 2 : i32
    %add3A_33 = arith.addi %mul3A_31, %add3A_32 : i32
    %dma_start3A_34 = arith.constant 2 : i32
    %dma_start3A_35 = arith.constant 0 : i32
    %dma_start3A_36 = tpu.memref_slice %arg5[%dma_start3A_34, %dma_start3A_35] : memref<4x128xi32, #tpu.memory_space<vmem>> -> memref<1x128xi32, #tpu.memory_space<vmem>>
    %dma_start3A_37 = arith.constant 0 : i32
    %dma_start3A_38 = tpu.memref_slice %arg3[%add3A_33, %dma_start3A_37] : memref<128x128xi32, #tpu.memory_space<hbm>> -> memref<1x128xi32, #tpu.memory_space<hbm>>
    %dma_start3A_39 = arith.constant 2 : i32
    %dma_start3A_40 = arith.constant 0 : i32
    %dma_start3A_41 = tpu.memref_slice %arg5[%dma_start3A_39, %dma_start3A_40] : memref<4x128xi32, #tpu.memory_space<vmem>> -> memref<1x128xi32, #tpu.memory_space<vmem>>
    %dma_start3A_42 = arith.constant 0 : i32
    %dma_start3A_43 = tpu.memref_slice %arg3[%add3A_33, %dma_start3A_42] : memref<128x128xi32, #tpu.memory_space<hbm>> -> memref<1x128xi32, #tpu.memory_space<hbm>>
    tpu.enqueue_dma source(%dma_start3A_43 : memref<1x128xi32, #tpu.memory_space<hbm>>) target(%dma_start3A_41 : memref<1x128xi32, #tpu.memory_space<vmem>>) target_semaphore(%arg10 : memref<!tpu.dma_semaphore, #tpu.memory_space<semaphore_mem>>)
    %mul3A_44 = arith.constant 4 : i32
    %mul3A_45 = arith.muli %add3A, %mul3A_44 : i32
    %add3A_46 = arith.constant 3 : i32
    %add3A_47 = arith.addi %mul3A_45, %add3A_46 : i32
    %dma_start3A_48 = arith.constant 3 : i32
    %dma_start3A_49 = arith.constant 0 : i32
    %dma_start3A_50 = tpu.memref_slice %arg5[%dma_start3A_48, %dma_start3A_49] : memref<4x128xi32, #tpu.memory_space<vmem>> -> memref<1x128xi32, #tpu.memory_space<vmem>>
    %dma_start3A_51 = arith.constant 0 : i32
    %dma_start3A_52 = tpu.memref_slice %arg3[%add3A_47, %dma_start3A_51] : memref<128x128xi32, #tpu.memory_space<hbm>> -> memref<1x128xi32, #tpu.memory_space<hbm>>
    %dma_start3A_53 = arith.constant 3 : i32
    %dma_start3A_54 = arith.constant 0 : i32
    %dma_start3A_55 = tpu.memref_slice %arg5[%dma_start3A_53, %dma_start3A_54] : memref<4x128xi32, #tpu.memory_space<vmem>> -> memref<1x128xi32, #tpu.memory_space<vmem>>
    %dma_start3A_56 = arith.constant 0 : i32
    %dma_start3A_57 = tpu.memref_slice %arg3[%add3A_47, %dma_start3A_56] : memref<128x128xi32, #tpu.memory_space<hbm>> -> memref<1x128xi32, #tpu.memory_space<hbm>>
    tpu.enqueue_dma source(%dma_start3A_57 : memref<1x128xi32, #tpu.memory_space<hbm>>) target(%dma_start3A_55 : memref<1x128xi32, #tpu.memory_space<vmem>>) target_semaphore(%arg10 : memref<!tpu.dma_semaphore, #tpu.memory_space<semaphore_mem>>)
    %dma_wait3A = arith.constant 0 : i32
    %dma_wait3A_58 = arith.constant 0 : i32
    %dma_wait3A_59 = tpu.memref_slice %arg5[%dma_wait3A, %dma_wait3A_58] : memref<4x128xi32, #tpu.memory_space<vmem>> -> memref<1x128xi32, #tpu.memory_space<vmem>>
    %dma_wait3A_60 = arith.constant 0 : i32
    %dma_wait3A_61 = tpu.memref_slice %arg3[%add3A_6, %dma_wait3A_60] : memref<128x128xi32, #tpu.memory_space<hbm>> -> memref<1x128xi32, #tpu.memory_space<hbm>>
    %dma_wait3A_62 = arith.constant 0 : i32
    %dma_wait3A_63 = arith.constant 0 : i32
    %dma_wait3A_64 = tpu.memref_slice %arg5[%dma_wait3A_62, %dma_wait3A_63] : memref<4x128xi32, #tpu.memory_space<vmem>> -> memref<1x128xi32, #tpu.memory_space<vmem>>
    %dma_wait3A_65 = arith.constant 0 : i32
    %dma_wait3A_66 = tpu.memref_slice %arg3[%add3A_6, %dma_wait3A_65] : memref<128x128xi32, #tpu.memory_space<hbm>> -> memref<1x128xi32, #tpu.memory_space<hbm>>
    tpu.wait_dma2 semaphore(%arg10 : memref<!tpu.dma_semaphore, #tpu.memory_space<semaphore_mem>>) src(%dma_wait3A_66 : memref<1x128xi32, #tpu.memory_space<hbm>>) dst(%dma_wait3A_64 : memref<1x128xi32, #tpu.memory_space<vmem>>)
    %dma_start3A_67 = arith.constant 0 : i32
    %dma_start3A_68 = arith.constant 0 : i32
    %dma_start3A_69 = tpu.memref_slice %arg6[%dma_start3A_68] : memref<512xf32, #tpu.memory_space<vmem>> -> memref<128xf32, #tpu.memory_space<vmem>>
    %dma_start3A_70 = arith.constant 0 : i32
    %dma_start3A_71 = tpu.memref_slice %arg5[%dma_start3A_67, %dma_start3A_70] : memref<4x128xi32, #tpu.memory_space<vmem>> -> memref<1x128xi32, #tpu.memory_space<vmem>>
    %dma_start3A_72 = tpu.memref_squeeze %dma_start3A_71 : memref<1x128xi32, #tpu.memory_space<vmem>> -> memref<128xi32, #tpu.memory_space<vmem>>
    %dma_start3A_73 = arith.constant 0 : i32
    %dma_start3A_74 = tpu.memref_slice %arg2[%dma_start3A_73] : memref<16384000xf32, #tpu.memory_space<hbm>> -> memref<16384000xf32, #tpu.memory_space<hbm>>
    tpu.enqueue_indirect_dma source(%dma_start3A_74 : memref<16384000xf32, #tpu.memory_space<hbm>>) target(%dma_start3A_69 : memref<128xf32, #tpu.memory_space<vmem>>) offsets(%dma_start3A_72 : memref<128xi32, #tpu.memory_space<vmem>>) semaphore(%arg9 : memref<!tpu.dma_semaphore, #tpu.memory_space<semaphore_mem>>)
    %dma_wait3A_75 = arith.constant 1 : i32
    %dma_wait3A_76 = arith.constant 0 : i32
    %dma_wait3A_77 = tpu.memref_slice %arg5[%dma_wait3A_75, %dma_wait3A_76] : memref<4x128xi32, #tpu.memory_space<vmem>> -> memref<1x128xi32, #tpu.memory_space<vmem>>
    %dma_wait3A_78 = arith.constant 0 : i32
    %dma_wait3A_79 = tpu.memref_slice %arg3[%add3A_19, %dma_wait3A_78] : memref<128x128xi32, #tpu.memory_space<hbm>> -> memref<1x128xi32, #tpu.memory_space<hbm>>
    %dma_wait3A_80 = arith.constant 1 : i32
    %dma_wait3A_81 = arith.constant 0 : i32
    %dma_wait3A_82 = tpu.memref_slice %arg5[%dma_wait3A_80, %dma_wait3A_81] : memref<4x128xi32, #tpu.memory_space<vmem>> -> memref<1x128xi32, #tpu.memory_space<vmem>>
    %dma_wait3A_83 = arith.constant 0 : i32
    %dma_wait3A_84 = tpu.memref_slice %arg3[%add3A_19, %dma_wait3A_83] : memref<128x128xi32, #tpu.memory_space<hbm>> -> memref<1x128xi32, #tpu.memory_space<hbm>>
    tpu.wait_dma2 semaphore(%arg10 : memref<!tpu.dma_semaphore, #tpu.memory_space<semaphore_mem>>) src(%dma_wait3A_84 : memref<1x128xi32, #tpu.memory_space<hbm>>) dst(%dma_wait3A_82 : memref<1x128xi32, #tpu.memory_space<vmem>>)
    %dma_start3A_85 = arith.constant 1 : i32
    %dma_start3A_86 = arith.constant 128 : i32
    %dma_start3A_87 = tpu.memref_slice %arg6[%dma_start3A_86] : memref<512xf32, #tpu.memory_space<vmem>> -> memref<128xf32, #tpu.memory_space<vmem>>
    %dma_start3A_88 = arith.constant 0 : i32
    %dma_start3A_89 = tpu.memref_slice %arg5[%dma_start3A_85, %dma_start3A_88] : memref<4x128xi32, #tpu.memory_space<vmem>> -> memref<1x128xi32, #tpu.memory_space<vmem>>
    %dma_start3A_90 = tpu.memref_squeeze %dma_start3A_89 : memref<1x128xi32, #tpu.memory_space<vmem>> -> memref<128xi32, #tpu.memory_space<vmem>>
    %dma_start3A_91 = arith.constant 0 : i32
    %dma_start3A_92 = tpu.memref_slice %arg2[%dma_start3A_91] : memref<16384000xf32, #tpu.memory_space<hbm>> -> memref<16384000xf32, #tpu.memory_space<hbm>>
    tpu.enqueue_indirect_dma source(%dma_start3A_92 : memref<16384000xf32, #tpu.memory_space<hbm>>) target(%dma_start3A_87 : memref<128xf32, #tpu.memory_space<vmem>>) offsets(%dma_start3A_90 : memref<128xi32, #tpu.memory_space<vmem>>) semaphore(%arg9 : memref<!tpu.dma_semaphore, #tpu.memory_space<semaphore_mem>>)
    %dma_wait3A_93 = arith.constant 2 : i32
    %dma_wait3A_94 = arith.constant 0 : i32
    %dma_wait3A_95 = tpu.memref_slice %arg5[%dma_wait3A_93, %dma_wait3A_94] : memref<4x128xi32, #tpu.memory_space<vmem>> -> memref<1x128xi32, #tpu.memory_space<vmem>>
    %dma_wait3A_96 = arith.constant 0 : i32
    %dma_wait3A_97 = tpu.memref_slice %arg3[%add3A_33, %dma_wait3A_96] : memref<128x128xi32, #tpu.memory_space<hbm>> -> memref<1x128xi32, #tpu.memory_space<hbm>>
    %dma_wait3A_98 = arith.constant 2 : i32
    %dma_wait3A_99 = arith.constant 0 : i32
    %dma_wait3A_100 = tpu.memref_slice %arg5[%dma_wait3A_98, %dma_wait3A_99] : memref<4x128xi32, #tpu.memory_space<vmem>> -> memref<1x128xi32, #tpu.memory_space<vmem>>
    %dma_wait3A_101 = arith.constant 0 : i32
    %dma_wait3A_102 = tpu.memref_slice %arg3[%add3A_33, %dma_wait3A_101] : memref<128x128xi32, #tpu.memory_space<hbm>> -> memref<1x128xi32, #tpu.memory_space<hbm>>
    tpu.wait_dma2 semaphore(%arg10 : memref<!tpu.dma_semaphore, #tpu.memory_space<semaphore_mem>>) src(%dma_wait3A_102 : memref<1x128xi32, #tpu.memory_space<hbm>>) dst(%dma_wait3A_100 : memref<1x128xi32, #tpu.memory_space<vmem>>)
    %dma_start3A_103 = arith.constant 2 : i32
    %dma_start3A_104 = arith.constant 256 : i32
    %dma_start3A_105 = tpu.memref_slice %arg6[%dma_start3A_104] : memref<512xf32, #tpu.memory_space<vmem>> -> memref<128xf32, #tpu.memory_space<vmem>>
    %dma_start3A_106 = arith.constant 0 : i32
    %dma_start3A_107 = tpu.memref_slice %arg5[%dma_start3A_103, %dma_start3A_106] : memref<4x128xi32, #tpu.memory_space<vmem>> -> memref<1x128xi32, #tpu.memory_space<vmem>>
    %dma_start3A_108 = tpu.memref_squeeze %dma_start3A_107 : memref<1x128xi32, #tpu.memory_space<vmem>> -> memref<128xi32, #tpu.memory_space<vmem>>
    %dma_start3A_109 = arith.constant 0 : i32
    %dma_start3A_110 = tpu.memref_slice %arg2[%dma_start3A_109] : memref<16384000xf32, #tpu.memory_space<hbm>> -> memref<16384000xf32, #tpu.memory_space<hbm>>
    tpu.enqueue_indirect_dma source(%dma_start3A_110 : memref<16384000xf32, #tpu.memory_space<hbm>>) target(%dma_start3A_105 : memref<128xf32, #tpu.memory_space<vmem>>) offsets(%dma_start3A_108 : memref<128xi32, #tpu.memory_space<vmem>>) semaphore(%arg9 : memref<!tpu.dma_semaphore, #tpu.memory_space<semaphore_mem>>)
    %dma_wait3A_111 = arith.constant 3 : i32
    %dma_wait3A_112 = arith.constant 0 : i32
    %dma_wait3A_113 = tpu.memref_slice %arg5[%dma_wait3A_111, %dma_wait3A_112] : memref<4x128xi32, #tpu.memory_space<vmem>> -> memref<1x128xi32, #tpu.memory_space<vmem>>
    %dma_wait3A_114 = arith.constant 0 : i32
    %dma_wait3A_115 = tpu.memref_slice %arg3[%add3A_47, %dma_wait3A_114] : memref<128x128xi32, #tpu.memory_space<hbm>> -> memref<1x128xi32, #tpu.memory_space<hbm>>
    %dma_wait3A_116 = arith.constant 3 : i32
    %dma_wait3A_117 = arith.constant 0 : i32
    %dma_wait3A_118 = tpu.memref_slice %arg5[%dma_wait3A_116, %dma_wait3A_117] : memref<4x128xi32, #tpu.memory_space<vmem>> -> memref<1x128xi32, #tpu.memory_space<vmem>>
    %dma_wait3A_119 = arith.constant 0 : i32
    %dma_wait3A_120 = tpu.memref_slice %arg3[%add3A_47, %dma_wait3A_119] : memref<128x128xi32, #tpu.memory_space<hbm>> -> memref<1x128xi32, #tpu.memory_space<hbm>>
    tpu.wait_dma2 semaphore(%arg10 : memref<!tpu.dma_semaphore, #tpu.memory_space<semaphore_mem>>) src(%dma_wait3A_120 : memref<1x128xi32, #tpu.memory_space<hbm>>) dst(%dma_wait3A_118 : memref<1x128xi32, #tpu.memory_space<vmem>>)
    %dma_start3A_121 = arith.constant 3 : i32
    %dma_start3A_122 = arith.constant 384 : i32
    %dma_start3A_123 = tpu.memref_slice %arg6[%dma_start3A_122] : memref<512xf32, #tpu.memory_space<vmem>> -> memref<128xf32, #tpu.memory_space<vmem>>
    %dma_start3A_124 = arith.constant 0 : i32
    %dma_start3A_125 = tpu.memref_slice %arg5[%dma_start3A_121, %dma_start3A_124] : memref<4x128xi32, #tpu.memory_space<vmem>> -> memref<1x128xi32, #tpu.memory_space<vmem>>
    %dma_start3A_126 = tpu.memref_squeeze %dma_start3A_125 : memref<1x128xi32, #tpu.memory_space<vmem>> -> memref<128xi32, #tpu.memory_space<vmem>>
    %dma_start3A_127 = arith.constant 0 : i32
    %dma_start3A_128 = tpu.memref_slice %arg2[%dma_start3A_127] : memref<16384000xf32, #tpu.memory_space<hbm>> -> memref<16384000xf32, #tpu.memory_space<hbm>>
    tpu.enqueue_indirect_dma source(%dma_start3A_128 : memref<16384000xf32, #tpu.memory_space<hbm>>) target(%dma_start3A_123 : memref<128xf32, #tpu.memory_space<vmem>>) offsets(%dma_start3A_126 : memref<128xi32, #tpu.memory_space<vmem>>) semaphore(%arg9 : memref<!tpu.dma_semaphore, #tpu.memory_space<semaphore_mem>>)
    %broadcast_in_dim3A = arith.constant 0.000000e+00 : f32
    %broadcast_in_dim3A_129 = vector.broadcast %broadcast_in_dim3A : f32 to vector<16xf32>
    %dma_wait3A_130 = arith.constant 0 : i32
    %dma_wait3A_131 = arith.constant 0 : i32
    %dma_wait3A_132 = tpu.memref_slice %arg6[%dma_wait3A_131] : memref<512xf32, #tpu.memory_space<vmem>> -> memref<128xf32, #tpu.memory_space<vmem>>
    %dma_wait3A_133 = arith.constant 0 : i32
    %dma_wait3A_134 = tpu.memref_slice %arg5[%dma_wait3A_130, %dma_wait3A_133] : memref<4x128xi32, #tpu.memory_space<vmem>> -> memref<1x128xi32, #tpu.memory_space<vmem>>
    %dma_wait3A_135 = tpu.memref_squeeze %dma_wait3A_134 : memref<1x128xi32, #tpu.memory_space<vmem>> -> memref<128xi32, #tpu.memory_space<vmem>>
    %dma_wait3A_136 = arith.constant 0 : i32
    %dma_wait3A_137 = tpu.memref_slice %arg2[%dma_wait3A_136] : memref<16384000xf32, #tpu.memory_space<hbm>> -> memref<16384000xf32, #tpu.memory_space<hbm>>
    tpu.wait_indirect_dma semaphore(%arg9 : memref<!tpu.dma_semaphore, #tpu.memory_space<semaphore_mem>>) src(%dma_wait3A_137 : memref<16384000xf32, #tpu.memory_space<hbm>>) dst(%dma_wait3A_132 : memref<128xf32, #tpu.memory_space<vmem>>)
    %scan3A = arith.constant 0 : i32
    %scan3A_138 = arith.constant 8 : i32
    %scan3A_139 = arith.addi %scan3A, %scan3A_138 : i32
    %scan3A_140 = arith.constant 2 : i32
    %scan3A_141 = scf.for %scan3A_198 = %scan3A to %scan3A_139 step %scan3A_140 iter_args(%scan3A_199 = %broadcast_in_dim3A_129) -> (vector<16xf32>)  : i32 {
      %add3A_200 = arith.constant 0 : i32
      %add3A_201 = arith.addi %add3A_200, %scan3A_198 : i32
      %mul3A_202 = arith.constant 16 : i32
      %mul3A_203 = arith.muli %add3A_201, %mul3A_202 : i32
      %get3A = arith.index_cast %mul3A_203 : i32 to index
      %get3A_204 = tpu.vector_load %arg6[%get3A] {strides = array<i32>} : memref<512xf32, #tpu.memory_space<vmem>>, vector<16xf32>,
      %bitcast3A = vector.bitcast %get3A_204 : vector<16xf32> to vector<16xi32>
      %shift_right_arithmetic3A = arith.constant 23 : i32
      %shift_right_arithmetic3A_205 = vector.broadcast %shift_right_arithmetic3A : i32 to vector<16xi32>
      %shift_right_arithmetic3A_206 = arith.shrsi %bitcast3A, %shift_right_arithmetic3A_205 : vector<16xi32>
      %and3A = arith.constant 8388607 : i32
      %and3A_207 = vector.broadcast %and3A : i32 to vector<16xi32>
      %and3A_208 = arith.andi %bitcast3A, %and3A_207 : vector<16xi32>
      %or3A = arith.constant 1065353216 : i32
      %or3A_209 = vector.broadcast %or3A : i32 to vector<16xi32>
      %or3A_210 = arith.ori %and3A_208, %or3A_209 : vector<16xi32>
      %bitcast3A_211 = vector.bitcast %or3A_210 : vector<16xi32> to vector<16xf32>
      %gt3A = arith.constant 1.41421354 : f32
      %gt3A_212 = vector.broadcast %gt3A : f32 to vector<16xf32>
      %gt3A_213 = arith.cmpf ogt, %bitcast3A_211, %gt3A_212 : vector<16xf32>
      %mul3A_214 = arith.constant 5.000000e-01 : f32
      %mul3A_215 = vector.broadcast %mul3A_214 : f32 to vector<16xf32>
      %mul3A_216 = arith.mulf %bitcast3A_211, %mul3A_215 : vector<16xf32>
      %select_n3A = arith.select %gt3A_213, %mul3A_216, %bitcast3A_211 : vector<16xi1>, vector<16xf32>
      %sub3A = arith.constant 1.000000e+00 : f32
      %sub3A_217 = vector.broadcast %sub3A : f32 to vector<16xf32>
      %sub3A_218 = arith.subf %select_n3A, %sub3A_217 : vector<16xf32>
      %convert_element_type3A_219 = arith.sitofp %shift_right_arithmetic3A_206 : vector<16xi32> to vector<16xf32>
      %jit3A = arith.constant 1.000000e+00 : f32
      %jit3A_220 = arith.constant 0.000000e+00 : f32
      %broadcast_in_dim3A_221 = vector.broadcast %jit3A : f32 to vector<16xf32>
      %broadcast_in_dim3A_222 = vector.broadcast %jit3A_220 : f32 to vector<16xf32>
      %select_n3A_223 = arith.select %gt3A_213, %broadcast_in_dim3A_221, %broadcast_in_dim3A_222 : vector<16xi1>, vector<16xf32>
      %add3A_224 = arith.addf %convert_element_type3A_219, %select_n3A_223 : vector<16xf32>
      %mul3A_225 = arith.constant 0.170283914 : f32
      %mul3A_226 = vector.broadcast %mul3A_225 : f32 to vector<16xf32>
      %mul3A_227 = arith.mulf %mul3A_226, %sub3A_218 : vector<16xf32>
      %add3A_228 = arith.constant -0.271096379 : f32
      %add3A_229 = vector.broadcast %add3A_228 : f32 to vector<16xf32>
      %add3A_230 = arith.addf %mul3A_227, %add3A_229 : vector<16xf32>
      %mul3A_231 = arith.mulf %add3A_230, %sub3A_218 : vector<16xf32>
      %add3A_232 = arith.constant 0.337610185 : f32
      %add3A_233 = vector.broadcast %add3A_232 : f32 to vector<16xf32>
      %add3A_234 = arith.addf %mul3A_231, %add3A_233 : vector<16xf32>
      %mul3A_235 = arith.mulf %add3A_234, %sub3A_218 : vector<16xf32>
      %add3A_236 = arith.constant -0.499335915 : f32
      %add3A_237 = vector.broadcast %add3A_236 : f32 to vector<16xf32>
      %add3A_238 = arith.addf %mul3A_235, %add3A_237 : vector<16xf32>
      %mul3A_239 = arith.mulf %add3A_238, %sub3A_218 : vector<16xf32>
      %add3A_240 = arith.constant 0.999909996 : f32
      %add3A_241 = vector.broadcast %add3A_240 : f32 to vector<16xf32>
      %add3A_242 = arith.addf %mul3A_239, %add3A_241 : vector<16xf32>
      %mul3A_243 = arith.mulf %add3A_242, %sub3A_218 : vector<16xf32>
      %add3A_244 = arith.constant -3.331600e-06 : f32
      %add3A_245 = vector.broadcast %add3A_244 : f32 to vector<16xf32>
      %add3A_246 = arith.addf %mul3A_243, %add3A_245 : vector<16xf32>
      %sub3A_247 = arith.constant 1.270000e+02 : f32
      %sub3A_248 = vector.broadcast %sub3A_247 : f32 to vector<16xf32>
      %sub3A_249 = arith.subf %add3A_224, %sub3A_248 : vector<16xf32>
      %mul3A_250 = arith.constant 0.693147182 : f32
      %mul3A_251 = vector.broadcast %mul3A_250 : f32 to vector<16xf32>
      %mul3A_252 = arith.mulf %sub3A_249, %mul3A_251 : vector<16xf32>
      %add3A_253 = arith.addf %add3A_246, %mul3A_252 : vector<16xf32>
      %add3A_254 = arith.addf %scan3A_199, %add3A_253 : vector<16xf32>
      %scan3A_255 = arith.constant 1 : i32
      %scan3A_256 = arith.addi %scan3A_198, %scan3A_255 : i32
      %add3A_257 = arith.constant 0 : i32
      %add3A_258 = arith.addi %add3A_257, %scan3A_256 : i32
      %mul3A_259 = arith.constant 16 : i32
      %mul3A_260 = arith.muli %add3A_258, %mul3A_259 : i32
      %get3A_261 = arith.index_cast %mul3A_260 : i32 to index
      %get3A_262 = tpu.vector_load %arg6[%get3A_261] {strides = array<i32>} : memref<512xf32, #tpu.memory_space<vmem>>, vector<16xf32>,
      %bitcast3A_263 = vector.bitcast %get3A_262 : vector<16xf32> to vector<16xi32>
      %shift_right_arithmetic3A_264 = arith.constant 23 : i32
      %shift_right_arithmetic3A_265 = vector.broadcast %shift_right_arithmetic3A_264 : i32 to vector<16xi32>
      %shift_right_arithmetic3A_266 = arith.shrsi %bitcast3A_263, %shift_right_arithmetic3A_265 : vector<16xi32>
      %and3A_267 = arith.constant 8388607 : i32
      %and3A_268 = vector.broadcast %and3A_267 : i32 to vector<16xi32>
      %and3A_269 = arith.andi %bitcast3A_263, %and3A_268 : vector<16xi32>
      %or3A_270 = arith.constant 1065353216 : i32
      %or3A_271 = vector.broadcast %or3A_270 : i32 to vector<16xi32>
      %or3A_272 = arith.ori %and3A_269, %or3A_271 : vector<16xi32>
      %bitcast3A_273 = vector.bitcast %or3A_272 : vector<16xi32> to vector<16xf32>
      %gt3A_274 = arith.constant 1.41421354 : f32
      %gt3A_275 = vector.broadcast %gt3A_274 : f32 to vector<16xf32>
      %gt3A_276 = arith.cmpf ogt, %bitcast3A_273, %gt3A_275 : vector<16xf32>
      %mul3A_277 = arith.constant 5.000000e-01 : f32
      %mul3A_278 = vector.broadcast %mul3A_277 : f32 to vector<16xf32>
      %mul3A_279 = arith.mulf %bitcast3A_273, %mul3A_278 : vector<16xf32>
      %select_n3A_280 = arith.select %gt3A_276, %mul3A_279, %bitcast3A_273 : vector<16xi1>, vector<16xf32>
      %sub3A_281 = arith.constant 1.000000e+00 : f32
      %sub3A_282 = vector.broadcast %sub3A_281 : f32 to vector<16xf32>
      %sub3A_283 = arith.subf %select_n3A_280, %sub3A_282 : vector<16xf32>
      %convert_element_type3A_284 = arith.sitofp %shift_right_arithmetic3A_266 : vector<16xi32> to vector<16xf32>
      %jit3A_285 = arith.constant 1.000000e+00 : f32
      %jit3A_286 = arith.constant 0.000000e+00 : f32
      %broadcast_in_dim3A_287 = vector.broadcast %jit3A_285 : f32 to vector<16xf32>
      %broadcast_in_dim3A_288 = vector.broadcast %jit3A_286 : f32 to vector<16xf32>
      %select_n3A_289 = arith.select %gt3A_276, %broadcast_in_dim3A_287, %broadcast_in_dim3A_288 : vector<16xi1>, vector<16xf32>
      %add3A_290 = arith.addf %convert_element_type3A_284, %select_n3A_289 : vector<16xf32>
      %mul3A_291 = arith.constant 0.170283914 : f32
      %mul3A_292 = vector.broadcast %mul3A_291 : f32 to vector<16xf32>
      %mul3A_293 = arith.mulf %mul3A_292, %sub3A_283 : vector<16xf32>
      %add3A_294 = arith.constant -0.271096379 : f32
      %add3A_295 = vector.broadcast %add3A_294 : f32 to vector<16xf32>
      %add3A_296 = arith.addf %mul3A_293, %add3A_295 : vector<16xf32>
      %mul3A_297 = arith.mulf %add3A_296, %sub3A_283 : vector<16xf32>
      %add3A_298 = arith.constant 0.337610185 : f32
      %add3A_299 = vector.broadcast %add3A_298 : f32 to vector<16xf32>
      %add3A_300 = arith.addf %mul3A_297, %add3A_299 : vector<16xf32>
      %mul3A_301 = arith.mulf %add3A_300, %sub3A_283 : vector<16xf32>
      %add3A_302 = arith.constant -0.499335915 : f32
      %add3A_303 = vector.broadcast %add3A_302 : f32 to vector<16xf32>
      %add3A_304 = arith.addf %mul3A_301, %add3A_303 : vector<16xf32>
      %mul3A_305 = arith.mulf %add3A_304, %sub3A_283 : vector<16xf32>
      %add3A_306 = arith.constant 0.999909996 : f32
      %add3A_307 = vector.broadcast %add3A_306 : f32 to vector<16xf32>
      %add3A_308 = arith.addf %mul3A_305, %add3A_307 : vector<16xf32>
      %mul3A_309 = arith.mulf %add3A_308, %sub3A_283 : vector<16xf32>
      %add3A_310 = arith.constant -3.331600e-06 : f32
      %add3A_311 = vector.broadcast %add3A_310 : f32 to vector<16xf32>
      %add3A_312 = arith.addf %mul3A_309, %add3A_311 : vector<16xf32>
      %sub3A_313 = arith.constant 1.270000e+02 : f32
      %sub3A_314 = vector.broadcast %sub3A_313 : f32 to vector<16xf32>
      %sub3A_315 = arith.subf %add3A_290, %sub3A_314 : vector<16xf32>
      %mul3A_316 = arith.constant 0.693147182 : f32
      %mul3A_317 = vector.broadcast %mul3A_316 : f32 to vector<16xf32>
      %mul3A_318 = arith.mulf %sub3A_315, %mul3A_317 : vector<16xf32>
      %add3A_319 = arith.addf %add3A_312, %mul3A_318 : vector<16xf32>
      %add3A_320 = arith.addf %add3A_254, %add3A_319 : vector<16xf32>
      scf.yield %add3A_320 : vector<16xf32>
    }
    %scan3A_142 = arith.constant 8 : i32
    %dma_wait3A_143 = arith.constant 1 : i32
    %dma_wait3A_144 = arith.constant 128 : i32
    %dma_wait3A_145 = tpu.memref_slice %arg6[%dma_wait3A_144] : memref<512xf32, #tpu.memory_space<vmem>> -> memref<128xf32, #tpu.memory_space<vmem>>
    %dma_wait3A_146 = arith.constant 0 : i32
    %dma_wait3A_147 = tpu.memref_slice %arg5[%dma_wait3A_143, %dma_wait3A_146] : memref<4x128xi32, #tpu.memory_space<vmem>> -> memref<1x128xi32, #tpu.memory_space<vmem>>
    %dma_wait3A_148 = tpu.memref_squeeze %dma_wait3A_147 : memref<1x128xi32, #tpu.memory_space<vmem>> -> memref<128xi32, #tpu.memory_space<vmem>>
    %dma_wait3A_149 = arith.constant 0 : i32
    %dma_wait3A_150 = tpu.memref_slice %arg2[%dma_wait3A_149] : memref<16384000xf32, #tpu.memory_space<hbm>> -> memref<16384000xf32, #tpu.memory_space<hbm>>
    tpu.wait_indirect_dma semaphore(%arg9 : memref<!tpu.dma_semaphore, #tpu.memory_space<semaphore_mem>>) src(%dma_wait3A_150 : memref<16384000xf32, #tpu.memory_space<hbm>>) dst(%dma_wait3A_145 : memref<128xf32, #tpu.memory_space<vmem>>)
    %scan3A_151 = arith.constant 0 : i32
    %scan3A_152 = arith.constant 8 : i32
    %scan3A_153 = arith.addi %scan3A_151, %scan3A_152 : i32
    %scan3A_154 = arith.constant 2 : i32
    %scan3A_155 = scf.for %scan3A_198 = %scan3A_151 to %scan3A_153 step %scan3A_154 iter_args(%scan3A_199 = %scan3A_141) -> (vector<16xf32>)  : i32 {
      %add3A_200 = arith.constant 8 : i32
      %add3A_201 = arith.addi %add3A_200, %scan3A_198 : i32
      %mul3A_202 = arith.constant 16 : i32
      %mul3A_203 = arith.muli %add3A_201, %mul3A_202 : i32
      %get3A = arith.index_cast %mul3A_203 : i32 to index
      %get3A_204 = tpu.vector_load %arg6[%get3A] {strides = array<i32>} : memref<512xf32, #tpu.memory_space<vmem>>, vector<16xf32>,
      %bitcast3A = vector.bitcast %get3A_204 : vector<16xf32> to vector<16xi32>
      %shift_right_arithmetic3A = arith.constant 23 : i32
      %shift_right_arithmetic3A_205 = vector.broadcast %shift_right_arithmetic3A : i32 to vector<16xi32>
      %shift_right_arithmetic3A_206 = arith.shrsi %bitcast3A, %shift_right_arithmetic3A_205 : vector<16xi32>
      %and3A = arith.constant 8388607 : i32
      %and3A_207 = vector.broadcast %and3A : i32 to vector<16xi32>
      %and3A_208 = arith.andi %bitcast3A, %and3A_207 : vector<16xi32>
      %or3A = arith.constant 1065353216 : i32
      %or3A_209 = vector.broadcast %or3A : i32 to vector<16xi32>
      %or3A_210 = arith.ori %and3A_208, %or3A_209 : vector<16xi32>
      %bitcast3A_211 = vector.bitcast %or3A_210 : vector<16xi32> to vector<16xf32>
      %gt3A = arith.constant 1.41421354 : f32
      %gt3A_212 = vector.broadcast %gt3A : f32 to vector<16xf32>
      %gt3A_213 = arith.cmpf ogt, %bitcast3A_211, %gt3A_212 : vector<16xf32>
      %mul3A_214 = arith.constant 5.000000e-01 : f32
      %mul3A_215 = vector.broadcast %mul3A_214 : f32 to vector<16xf32>
      %mul3A_216 = arith.mulf %bitcast3A_211, %mul3A_215 : vector<16xf32>
      %select_n3A = arith.select %gt3A_213, %mul3A_216, %bitcast3A_211 : vector<16xi1>, vector<16xf32>
      %sub3A = arith.constant 1.000000e+00 : f32
      %sub3A_217 = vector.broadcast %sub3A : f32 to vector<16xf32>
      %sub3A_218 = arith.subf %select_n3A, %sub3A_217 : vector<16xf32>
      %convert_element_type3A_219 = arith.sitofp %shift_right_arithmetic3A_206 : vector<16xi32> to vector<16xf32>
      %jit3A = arith.constant 1.000000e+00 : f32
      %jit3A_220 = arith.constant 0.000000e+00 : f32
      %broadcast_in_dim3A_221 = vector.broadcast %jit3A : f32 to vector<16xf32>
      %broadcast_in_dim3A_222 = vector.broadcast %jit3A_220 : f32 to vector<16xf32>
      %select_n3A_223 = arith.select %gt3A_213, %broadcast_in_dim3A_221, %broadcast_in_dim3A_222 : vector<16xi1>, vector<16xf32>
      %add3A_224 = arith.addf %convert_element_type3A_219, %select_n3A_223 : vector<16xf32>
      %mul3A_225 = arith.constant 0.170283914 : f32
      %mul3A_226 = vector.broadcast %mul3A_225 : f32 to vector<16xf32>
      %mul3A_227 = arith.mulf %mul3A_226, %sub3A_218 : vector<16xf32>
      %add3A_228 = arith.constant -0.271096379 : f32
      %add3A_229 = vector.broadcast %add3A_228 : f32 to vector<16xf32>
      %add3A_230 = arith.addf %mul3A_227, %add3A_229 : vector<16xf32>
      %mul3A_231 = arith.mulf %add3A_230, %sub3A_218 : vector<16xf32>
      %add3A_232 = arith.constant 0.337610185 : f32
      %add3A_233 = vector.broadcast %add3A_232 : f32 to vector<16xf32>
      %add3A_234 = arith.addf %mul3A_231, %add3A_233 : vector<16xf32>
      %mul3A_235 = arith.mulf %add3A_234, %sub3A_218 : vector<16xf32>
      %add3A_236 = arith.constant -0.499335915 : f32
      %add3A_237 = vector.broadcast %add3A_236 : f32 to vector<16xf32>
      %add3A_238 = arith.addf %mul3A_235, %add3A_237 : vector<16xf32>
      %mul3A_239 = arith.mulf %add3A_238, %sub3A_218 : vector<16xf32>
      %add3A_240 = arith.constant 0.999909996 : f32
      %add3A_241 = vector.broadcast %add3A_240 : f32 to vector<16xf32>
      %add3A_242 = arith.addf %mul3A_239, %add3A_241 : vector<16xf32>
      %mul3A_243 = arith.mulf %add3A_242, %sub3A_218 : vector<16xf32>
      %add3A_244 = arith.constant -3.331600e-06 : f32
      %add3A_245 = vector.broadcast %add3A_244 : f32 to vector<16xf32>
      %add3A_246 = arith.addf %mul3A_243, %add3A_245 : vector<16xf32>
      %sub3A_247 = arith.constant 1.270000e+02 : f32
      %sub3A_248 = vector.broadcast %sub3A_247 : f32 to vector<16xf32>
      %sub3A_249 = arith.subf %add3A_224, %sub3A_248 : vector<16xf32>
      %mul3A_250 = arith.constant 0.693147182 : f32
      %mul3A_251 = vector.broadcast %mul3A_250 : f32 to vector<16xf32>
      %mul3A_252 = arith.mulf %sub3A_249, %mul3A_251 : vector<16xf32>
      %add3A_253 = arith.addf %add3A_246, %mul3A_252 : vector<16xf32>
      %add3A_254 = arith.addf %scan3A_199, %add3A_253 : vector<16xf32>
      %scan3A_255 = arith.constant 1 : i32
      %scan3A_256 = arith.addi %scan3A_198, %scan3A_255 : i32
      %add3A_257 = arith.constant 8 : i32
      %add3A_258 = arith.addi %add3A_257, %scan3A_256 : i32
      %mul3A_259 = arith.constant 16 : i32
      %mul3A_260 = arith.muli %add3A_258, %mul3A_259 : i32
      %get3A_261 = arith.index_cast %mul3A_260 : i32 to index
      %get3A_262 = tpu.vector_load %arg6[%get3A_261] {strides = array<i32>} : memref<512xf32, #tpu.memory_space<vmem>>, vector<16xf32>,
      %bitcast3A_263 = vector.bitcast %get3A_262 : vector<16xf32> to vector<16xi32>
      %shift_right_arithmetic3A_264 = arith.constant 23 : i32
      %shift_right_arithmetic3A_265 = vector.broadcast %shift_right_arithmetic3A_264 : i32 to vector<16xi32>
      %shift_right_arithmetic3A_266 = arith.shrsi %bitcast3A_263, %shift_right_arithmetic3A_265 : vector<16xi32>
      %and3A_267 = arith.constant 8388607 : i32
      %and3A_268 = vector.broadcast %and3A_267 : i32 to vector<16xi32>
      %and3A_269 = arith.andi %bitcast3A_263, %and3A_268 : vector<16xi32>
      %or3A_270 = arith.constant 1065353216 : i32
      %or3A_271 = vector.broadcast %or3A_270 : i32 to vector<16xi32>
      %or3A_272 = arith.ori %and3A_269, %or3A_271 : vector<16xi32>
      %bitcast3A_273 = vector.bitcast %or3A_272 : vector<16xi32> to vector<16xf32>
      %gt3A_274 = arith.constant 1.41421354 : f32
      %gt3A_275 = vector.broadcast %gt3A_274 : f32 to vector<16xf32>
      %gt3A_276 = arith.cmpf ogt, %bitcast3A_273, %gt3A_275 : vector<16xf32>
      %mul3A_277 = arith.constant 5.000000e-01 : f32
      %mul3A_278 = vector.broadcast %mul3A_277 : f32 to vector<16xf32>
      %mul3A_279 = arith.mulf %bitcast3A_273, %mul3A_278 : vector<16xf32>
      %select_n3A_280 = arith.select %gt3A_276, %mul3A_279, %bitcast3A_273 : vector<16xi1>, vector<16xf32>
      %sub3A_281 = arith.constant 1.000000e+00 : f32
      %sub3A_282 = vector.broadcast %sub3A_281 : f32 to vector<16xf32>
      %sub3A_283 = arith.subf %select_n3A_280, %sub3A_282 : vector<16xf32>
      %convert_element_type3A_284 = arith.sitofp %shift_right_arithmetic3A_266 : vector<16xi32> to vector<16xf32>
      %jit3A_285 = arith.constant 1.000000e+00 : f32
      %jit3A_286 = arith.constant 0.000000e+00 : f32
      %broadcast_in_dim3A_287 = vector.broadcast %jit3A_285 : f32 to vector<16xf32>
      %broadcast_in_dim3A_288 = vector.broadcast %jit3A_286 : f32 to vector<16xf32>
      %select_n3A_289 = arith.select %gt3A_276, %broadcast_in_dim3A_287, %broadcast_in_dim3A_288 : vector<16xi1>, vector<16xf32>
      %add3A_290 = arith.addf %convert_element_type3A_284, %select_n3A_289 : vector<16xf32>
      %mul3A_291 = arith.constant 0.170283914 : f32
      %mul3A_292 = vector.broadcast %mul3A_291 : f32 to vector<16xf32>
      %mul3A_293 = arith.mulf %mul3A_292, %sub3A_283 : vector<16xf32>
      %add3A_294 = arith.constant -0.271096379 : f32
      %add3A_295 = vector.broadcast %add3A_294 : f32 to vector<16xf32>
      %add3A_296 = arith.addf %mul3A_293, %add3A_295 : vector<16xf32>
      %mul3A_297 = arith.mulf %add3A_296, %sub3A_283 : vector<16xf32>
      %add3A_298 = arith.constant 0.337610185 : f32
      %add3A_299 = vector.broadcast %add3A_298 : f32 to vector<16xf32>
      %add3A_300 = arith.addf %mul3A_297, %add3A_299 : vector<16xf32>
      %mul3A_301 = arith.mulf %add3A_300, %sub3A_283 : vector<16xf32>
      %add3A_302 = arith.constant -0.499335915 : f32
      %add3A_303 = vector.broadcast %add3A_302 : f32 to vector<16xf32>
      %add3A_304 = arith.addf %mul3A_301, %add3A_303 : vector<16xf32>
      %mul3A_305 = arith.mulf %add3A_304, %sub3A_283 : vector<16xf32>
      %add3A_306 = arith.constant 0.999909996 : f32
      %add3A_307 = vector.broadcast %add3A_306 : f32 to vector<16xf32>
      %add3A_308 = arith.addf %mul3A_305, %add3A_307 : vector<16xf32>
      %mul3A_309 = arith.mulf %add3A_308, %sub3A_283 : vector<16xf32>
      %add3A_310 = arith.constant -3.331600e-06 : f32
      %add3A_311 = vector.broadcast %add3A_310 : f32 to vector<16xf32>
      %add3A_312 = arith.addf %mul3A_309, %add3A_311 : vector<16xf32>
      %sub3A_313 = arith.constant 1.270000e+02 : f32
      %sub3A_314 = vector.broadcast %sub3A_313 : f32 to vector<16xf32>
      %sub3A_315 = arith.subf %add3A_290, %sub3A_314 : vector<16xf32>
      %mul3A_316 = arith.constant 0.693147182 : f32
      %mul3A_317 = vector.broadcast %mul3A_316 : f32 to vector<16xf32>
      %mul3A_318 = arith.mulf %sub3A_315, %mul3A_317 : vector<16xf32>
      %add3A_319 = arith.addf %add3A_312, %mul3A_318 : vector<16xf32>
      %add3A_320 = arith.addf %add3A_254, %add3A_319 : vector<16xf32>
      scf.yield %add3A_320 : vector<16xf32>
    }
    %scan3A_156 = arith.constant 8 : i32
    %dma_wait3A_157 = arith.constant 2 : i32
    %dma_wait3A_158 = arith.constant 256 : i32
    %dma_wait3A_159 = tpu.memref_slice %arg6[%dma_wait3A_158] : memref<512xf32, #tpu.memory_space<vmem>> -> memref<128xf32, #tpu.memory_space<vmem>>
    %dma_wait3A_160 = arith.constant 0 : i32
    %dma_wait3A_161 = tpu.memref_slice %arg5[%dma_wait3A_157, %dma_wait3A_160] : memref<4x128xi32, #tpu.memory_space<vmem>> -> memref<1x128xi32, #tpu.memory_space<vmem>>
    %dma_wait3A_162 = tpu.memref_squeeze %dma_wait3A_161 : memref<1x128xi32, #tpu.memory_space<vmem>> -> memref<128xi32, #tpu.memory_space<vmem>>
    %dma_wait3A_163 = arith.constant 0 : i32
    %dma_wait3A_164 = tpu.memref_slice %arg2[%dma_wait3A_163] : memref<16384000xf32, #tpu.memory_space<hbm>> -> memref<16384000xf32, #tpu.memory_space<hbm>>
    tpu.wait_indirect_dma semaphore(%arg9 : memref<!tpu.dma_semaphore, #tpu.memory_space<semaphore_mem>>) src(%dma_wait3A_164 : memref<16384000xf32, #tpu.memory_space<hbm>>) dst(%dma_wait3A_159 : memref<128xf32, #tpu.memory_space<vmem>>)
    %scan3A_165 = arith.constant 0 : i32
    %scan3A_166 = arith.constant 8 : i32
    %scan3A_167 = arith.addi %scan3A_165, %scan3A_166 : i32
    %scan3A_168 = arith.constant 2 : i32
    %scan3A_169 = scf.for %scan3A_198 = %scan3A_165 to %scan3A_167 step %scan3A_168 iter_args(%scan3A_199 = %scan3A_155) -> (vector<16xf32>)  : i32 {
      %add3A_200 = arith.constant 16 : i32
      %add3A_201 = arith.addi %add3A_200, %scan3A_198 : i32
      %mul3A_202 = arith.constant 16 : i32
      %mul3A_203 = arith.muli %add3A_201, %mul3A_202 : i32
      %get3A = arith.index_cast %mul3A_203 : i32 to index
      %get3A_204 = tpu.vector_load %arg6[%get3A] {strides = array<i32>} : memref<512xf32, #tpu.memory_space<vmem>>, vector<16xf32>,
      %bitcast3A = vector.bitcast %get3A_204 : vector<16xf32> to vector<16xi32>
      %shift_right_arithmetic3A = arith.constant 23 : i32
      %shift_right_arithmetic3A_205 = vector.broadcast %shift_right_arithmetic3A : i32 to vector<16xi32>
      %shift_right_arithmetic3A_206 = arith.shrsi %bitcast3A, %shift_right_arithmetic3A_205 : vector<16xi32>
      %and3A = arith.constant 8388607 : i32
      %and3A_207 = vector.broadcast %and3A : i32 to vector<16xi32>
      %and3A_208 = arith.andi %bitcast3A, %and3A_207 : vector<16xi32>
      %or3A = arith.constant 1065353216 : i32
      %or3A_209 = vector.broadcast %or3A : i32 to vector<16xi32>
      %or3A_210 = arith.ori %and3A_208, %or3A_209 : vector<16xi32>
      %bitcast3A_211 = vector.bitcast %or3A_210 : vector<16xi32> to vector<16xf32>
      %gt3A = arith.constant 1.41421354 : f32
      %gt3A_212 = vector.broadcast %gt3A : f32 to vector<16xf32>
      %gt3A_213 = arith.cmpf ogt, %bitcast3A_211, %gt3A_212 : vector<16xf32>
      %mul3A_214 = arith.constant 5.000000e-01 : f32
      %mul3A_215 = vector.broadcast %mul3A_214 : f32 to vector<16xf32>
      %mul3A_216 = arith.mulf %bitcast3A_211, %mul3A_215 : vector<16xf32>
      %select_n3A = arith.select %gt3A_213, %mul3A_216, %bitcast3A_211 : vector<16xi1>, vector<16xf32>
      %sub3A = arith.constant 1.000000e+00 : f32
      %sub3A_217 = vector.broadcast %sub3A : f32 to vector<16xf32>
      %sub3A_218 = arith.subf %select_n3A, %sub3A_217 : vector<16xf32>
      %convert_element_type3A_219 = arith.sitofp %shift_right_arithmetic3A_206 : vector<16xi32> to vector<16xf32>
      %jit3A = arith.constant 1.000000e+00 : f32
      %jit3A_220 = arith.constant 0.000000e+00 : f32
      %broadcast_in_dim3A_221 = vector.broadcast %jit3A : f32 to vector<16xf32>
      %broadcast_in_dim3A_222 = vector.broadcast %jit3A_220 : f32 to vector<16xf32>
      %select_n3A_223 = arith.select %gt3A_213, %broadcast_in_dim3A_221, %broadcast_in_dim3A_222 : vector<16xi1>, vector<16xf32>
      %add3A_224 = arith.addf %convert_element_type3A_219, %select_n3A_223 : vector<16xf32>
      %mul3A_225 = arith.constant 0.170283914 : f32
      %mul3A_226 = vector.broadcast %mul3A_225 : f32 to vector<16xf32>
      %mul3A_227 = arith.mulf %mul3A_226, %sub3A_218 : vector<16xf32>
      %add3A_228 = arith.constant -0.271096379 : f32
      %add3A_229 = vector.broadcast %add3A_228 : f32 to vector<16xf32>
      %add3A_230 = arith.addf %mul3A_227, %add3A_229 : vector<16xf32>
      %mul3A_231 = arith.mulf %add3A_230, %sub3A_218 : vector<16xf32>
      %add3A_232 = arith.constant 0.337610185 : f32
      %add3A_233 = vector.broadcast %add3A_232 : f32 to vector<16xf32>
      %add3A_234 = arith.addf %mul3A_231, %add3A_233 : vector<16xf32>
      %mul3A_235 = arith.mulf %add3A_234, %sub3A_218 : vector<16xf32>
      %add3A_236 = arith.constant -0.499335915 : f32
      %add3A_237 = vector.broadcast %add3A_236 : f32 to vector<16xf32>
      %add3A_238 = arith.addf %mul3A_235, %add3A_237 : vector<16xf32>
      %mul3A_239 = arith.mulf %add3A_238, %sub3A_218 : vector<16xf32>
      %add3A_240 = arith.constant 0.999909996 : f32
      %add3A_241 = vector.broadcast %add3A_240 : f32 to vector<16xf32>
      %add3A_242 = arith.addf %mul3A_239, %add3A_241 : vector<16xf32>
      %mul3A_243 = arith.mulf %add3A_242, %sub3A_218 : vector<16xf32>
      %add3A_244 = arith.constant -3.331600e-06 : f32
      %add3A_245 = vector.broadcast %add3A_244 : f32 to vector<16xf32>
      %add3A_246 = arith.addf %mul3A_243, %add3A_245 : vector<16xf32>
      %sub3A_247 = arith.constant 1.270000e+02 : f32
      %sub3A_248 = vector.broadcast %sub3A_247 : f32 to vector<16xf32>
      %sub3A_249 = arith.subf %add3A_224, %sub3A_248 : vector<16xf32>
      %mul3A_250 = arith.constant 0.693147182 : f32
      %mul3A_251 = vector.broadcast %mul3A_250 : f32 to vector<16xf32>
      %mul3A_252 = arith.mulf %sub3A_249, %mul3A_251 : vector<16xf32>
      %add3A_253 = arith.addf %add3A_246, %mul3A_252 : vector<16xf32>
      %add3A_254 = arith.addf %scan3A_199, %add3A_253 : vector<16xf32>
      %scan3A_255 = arith.constant 1 : i32
      %scan3A_256 = arith.addi %scan3A_198, %scan3A_255 : i32
      %add3A_257 = arith.constant 16 : i32
      %add3A_258 = arith.addi %add3A_257, %scan3A_256 : i32
      %mul3A_259 = arith.constant 16 : i32
      %mul3A_260 = arith.muli %add3A_258, %mul3A_259 : i32
      %get3A_261 = arith.index_cast %mul3A_260 : i32 to index
      %get3A_262 = tpu.vector_load %arg6[%get3A_261] {strides = array<i32>} : memref<512xf32, #tpu.memory_space<vmem>>, vector<16xf32>,
      %bitcast3A_263 = vector.bitcast %get3A_262 : vector<16xf32> to vector<16xi32>
      %shift_right_arithmetic3A_264 = arith.constant 23 : i32
      %shift_right_arithmetic3A_265 = vector.broadcast %shift_right_arithmetic3A_264 : i32 to vector<16xi32>
      %shift_right_arithmetic3A_266 = arith.shrsi %bitcast3A_263, %shift_right_arithmetic3A_265 : vector<16xi32>
      %and3A_267 = arith.constant 8388607 : i32
      %and3A_268 = vector.broadcast %and3A_267 : i32 to vector<16xi32>
      %and3A_269 = arith.andi %bitcast3A_263, %and3A_268 : vector<16xi32>
      %or3A_270 = arith.constant 1065353216 : i32
      %or3A_271 = vector.broadcast %or3A_270 : i32 to vector<16xi32>
      %or3A_272 = arith.ori %and3A_269, %or3A_271 : vector<16xi32>
      %bitcast3A_273 = vector.bitcast %or3A_272 : vector<16xi32> to vector<16xf32>
      %gt3A_274 = arith.constant 1.41421354 : f32
      %gt3A_275 = vector.broadcast %gt3A_274 : f32 to vector<16xf32>
      %gt3A_276 = arith.cmpf ogt, %bitcast3A_273, %gt3A_275 : vector<16xf32>
      %mul3A_277 = arith.constant 5.000000e-01 : f32
      %mul3A_278 = vector.broadcast %mul3A_277 : f32 to vector<16xf32>
      %mul3A_279 = arith.mulf %bitcast3A_273, %mul3A_278 : vector<16xf32>
      %select_n3A_280 = arith.select %gt3A_276, %mul3A_279, %bitcast3A_273 : vector<16xi1>, vector<16xf32>
      %sub3A_281 = arith.constant 1.000000e+00 : f32
      %sub3A_282 = vector.broadcast %sub3A_281 : f32 to vector<16xf32>
      %sub3A_283 = arith.subf %select_n3A_280, %sub3A_282 : vector<16xf32>
      %convert_element_type3A_284 = arith.sitofp %shift_right_arithmetic3A_266 : vector<16xi32> to vector<16xf32>
      %jit3A_285 = arith.constant 1.000000e+00 : f32
      %jit3A_286 = arith.constant 0.000000e+00 : f32
      %broadcast_in_dim3A_287 = vector.broadcast %jit3A_285 : f32 to vector<16xf32>
      %broadcast_in_dim3A_288 = vector.broadcast %jit3A_286 : f32 to vector<16xf32>
      %select_n3A_289 = arith.select %gt3A_276, %broadcast_in_dim3A_287, %broadcast_in_dim3A_288 : vector<16xi1>, vector<16xf32>
      %add3A_290 = arith.addf %convert_element_type3A_284, %select_n3A_289 : vector<16xf32>
      %mul3A_291 = arith.constant 0.170283914 : f32
      %mul3A_292 = vector.broadcast %mul3A_291 : f32 to vector<16xf32>
      %mul3A_293 = arith.mulf %mul3A_292, %sub3A_283 : vector<16xf32>
      %add3A_294 = arith.constant -0.271096379 : f32
      %add3A_295 = vector.broadcast %add3A_294 : f32 to vector<16xf32>
      %add3A_296 = arith.addf %mul3A_293, %add3A_295 : vector<16xf32>
      %mul3A_297 = arith.mulf %add3A_296, %sub3A_283 : vector<16xf32>
      %add3A_298 = arith.constant 0.337610185 : f32
      %add3A_299 = vector.broadcast %add3A_298 : f32 to vector<16xf32>
      %add3A_300 = arith.addf %mul3A_297, %add3A_299 : vector<16xf32>
      %mul3A_301 = arith.mulf %add3A_300, %sub3A_283 : vector<16xf32>
      %add3A_302 = arith.constant -0.499335915 : f32
      %add3A_303 = vector.broadcast %add3A_302 : f32 to vector<16xf32>
      %add3A_304 = arith.addf %mul3A_301, %add3A_303 : vector<16xf32>
      %mul3A_305 = arith.mulf %add3A_304, %sub3A_283 : vector<16xf32>
      %add3A_306 = arith.constant 0.999909996 : f32
      %add3A_307 = vector.broadcast %add3A_306 : f32 to vector<16xf32>
      %add3A_308 = arith.addf %mul3A_305, %add3A_307 : vector<16xf32>
      %mul3A_309 = arith.mulf %add3A_308, %sub3A_283 : vector<16xf32>
      %add3A_310 = arith.constant -3.331600e-06 : f32
      %add3A_311 = vector.broadcast %add3A_310 : f32 to vector<16xf32>
      %add3A_312 = arith.addf %mul3A_309, %add3A_311 : vector<16xf32>
      %sub3A_313 = arith.constant 1.270000e+02 : f32
      %sub3A_314 = vector.broadcast %sub3A_313 : f32 to vector<16xf32>
      %sub3A_315 = arith.subf %add3A_290, %sub3A_314 : vector<16xf32>
      %mul3A_316 = arith.constant 0.693147182 : f32
      %mul3A_317 = vector.broadcast %mul3A_316 : f32 to vector<16xf32>
      %mul3A_318 = arith.mulf %sub3A_315, %mul3A_317 : vector<16xf32>
      %add3A_319 = arith.addf %add3A_312, %mul3A_318 : vector<16xf32>
      %add3A_320 = arith.addf %add3A_254, %add3A_319 : vector<16xf32>
      scf.yield %add3A_320 : vector<16xf32>
    }
    %scan3A_170 = arith.constant 8 : i32
    %dma_wait3A_171 = arith.constant 3 : i32
    %dma_wait3A_172 = arith.constant 384 : i32
    %dma_wait3A_173 = tpu.memref_slice %arg6[%dma_wait3A_172] : memref<512xf32, #tpu.memory_space<vmem>> -> memref<128xf32, #tpu.memory_space<vmem>>
    %dma_wait3A_174 = arith.constant 0 : i32
    %dma_wait3A_175 = tpu.memref_slice %arg5[%dma_wait3A_171, %dma_wait3A_174] : memref<4x128xi32, #tpu.memory_space<vmem>> -> memref<1x128xi32, #tpu.memory_space<vmem>>
    %dma_wait3A_176 = tpu.memref_squeeze %dma_wait3A_175 : memref<1x128xi32, #tpu.memory_space<vmem>> -> memref<128xi32, #tpu.memory_space<vmem>>
    %dma_wait3A_177 = arith.constant 0 : i32
    %dma_wait3A_178 = tpu.memref_slice %arg2[%dma_wait3A_177] : memref<16384000xf32, #tpu.memory_space<hbm>> -> memref<16384000xf32, #tpu.memory_space<hbm>>
    tpu.wait_indirect_dma semaphore(%arg9 : memref<!tpu.dma_semaphore, #tpu.memory_space<semaphore_mem>>) src(%dma_wait3A_178 : memref<16384000xf32, #tpu.memory_space<hbm>>) dst(%dma_wait3A_173 : memref<128xf32, #tpu.memory_space<vmem>>)
    %scan3A_179 = arith.constant 0 : i32
    %scan3A_180 = arith.constant 8 : i32
    %scan3A_181 = arith.addi %scan3A_179, %scan3A_180 : i32
    %scan3A_182 = arith.constant 2 : i32
    %scan3A_183 = scf.for %scan3A_198 = %scan3A_179 to %scan3A_181 step %scan3A_182 iter_args(%scan3A_199 = %scan3A_169) -> (vector<16xf32>)  : i32 {
      %add3A_200 = arith.constant 24 : i32
      %add3A_201 = arith.addi %add3A_200, %scan3A_198 : i32
      %mul3A_202 = arith.constant 16 : i32
      %mul3A_203 = arith.muli %add3A_201, %mul3A_202 : i32
      %get3A = arith.index_cast %mul3A_203 : i32 to index
      %get3A_204 = tpu.vector_load %arg6[%get3A] {strides = array<i32>} : memref<512xf32, #tpu.memory_space<vmem>>, vector<16xf32>,
      %bitcast3A = vector.bitcast %get3A_204 : vector<16xf32> to vector<16xi32>
      %shift_right_arithmetic3A = arith.constant 23 : i32
      %shift_right_arithmetic3A_205 = vector.broadcast %shift_right_arithmetic3A : i32 to vector<16xi32>
      %shift_right_arithmetic3A_206 = arith.shrsi %bitcast3A, %shift_right_arithmetic3A_205 : vector<16xi32>
      %and3A = arith.constant 8388607 : i32
      %and3A_207 = vector.broadcast %and3A : i32 to vector<16xi32>
      %and3A_208 = arith.andi %bitcast3A, %and3A_207 : vector<16xi32>
      %or3A = arith.constant 1065353216 : i32
      %or3A_209 = vector.broadcast %or3A : i32 to vector<16xi32>
      %or3A_210 = arith.ori %and3A_208, %or3A_209 : vector<16xi32>
      %bitcast3A_211 = vector.bitcast %or3A_210 : vector<16xi32> to vector<16xf32>
      %gt3A = arith.constant 1.41421354 : f32
      %gt3A_212 = vector.broadcast %gt3A : f32 to vector<16xf32>
      %gt3A_213 = arith.cmpf ogt, %bitcast3A_211, %gt3A_212 : vector<16xf32>
      %mul3A_214 = arith.constant 5.000000e-01 : f32
      %mul3A_215 = vector.broadcast %mul3A_214 : f32 to vector<16xf32>
      %mul3A_216 = arith.mulf %bitcast3A_211, %mul3A_215 : vector<16xf32>
      %select_n3A = arith.select %gt3A_213, %mul3A_216, %bitcast3A_211 : vector<16xi1>, vector<16xf32>
      %sub3A = arith.constant 1.000000e+00 : f32
      %sub3A_217 = vector.broadcast %sub3A : f32 to vector<16xf32>
      %sub3A_218 = arith.subf %select_n3A, %sub3A_217 : vector<16xf32>
      %convert_element_type3A_219 = arith.sitofp %shift_right_arithmetic3A_206 : vector<16xi32> to vector<16xf32>
      %jit3A = arith.constant 1.000000e+00 : f32
      %jit3A_220 = arith.constant 0.000000e+00 : f32
      %broadcast_in_dim3A_221 = vector.broadcast %jit3A : f32 to vector<16xf32>
      %broadcast_in_dim3A_222 = vector.broadcast %jit3A_220 : f32 to vector<16xf32>
      %select_n3A_223 = arith.select %gt3A_213, %broadcast_in_dim3A_221, %broadcast_in_dim3A_222 : vector<16xi1>, vector<16xf32>
      %add3A_224 = arith.addf %convert_element_type3A_219, %select_n3A_223 : vector<16xf32>
      %mul3A_225 = arith.constant 0.170283914 : f32
      %mul3A_226 = vector.broadcast %mul3A_225 : f32 to vector<16xf32>
      %mul3A_227 = arith.mulf %mul3A_226, %sub3A_218 : vector<16xf32>
      %add3A_228 = arith.constant -0.271096379 : f32
      %add3A_229 = vector.broadcast %add3A_228 : f32 to vector<16xf32>
      %add3A_230 = arith.addf %mul3A_227, %add3A_229 : vector<16xf32>
      %mul3A_231 = arith.mulf %add3A_230, %sub3A_218 : vector<16xf32>
      %add3A_232 = arith.constant 0.337610185 : f32
      %add3A_233 = vector.broadcast %add3A_232 : f32 to vector<16xf32>
      %add3A_234 = arith.addf %mul3A_231, %add3A_233 : vector<16xf32>
      %mul3A_235 = arith.mulf %add3A_234, %sub3A_218 : vector<16xf32>
      %add3A_236 = arith.constant -0.499335915 : f32
      %add3A_237 = vector.broadcast %add3A_236 : f32 to vector<16xf32>
      %add3A_238 = arith.addf %mul3A_235, %add3A_237 : vector<16xf32>
      %mul3A_239 = arith.mulf %add3A_238, %sub3A_218 : vector<16xf32>
      %add3A_240 = arith.constant 0.999909996 : f32
      %add3A_241 = vector.broadcast %add3A_240 : f32 to vector<16xf32>
      %add3A_242 = arith.addf %mul3A_239, %add3A_241 : vector<16xf32>
      %mul3A_243 = arith.mulf %add3A_242, %sub3A_218 : vector<16xf32>
      %add3A_244 = arith.constant -3.331600e-06 : f32
      %add3A_245 = vector.broadcast %add3A_244 : f32 to vector<16xf32>
      %add3A_246 = arith.addf %mul3A_243, %add3A_245 : vector<16xf32>
      %sub3A_247 = arith.constant 1.270000e+02 : f32
      %sub3A_248 = vector.broadcast %sub3A_247 : f32 to vector<16xf32>
      %sub3A_249 = arith.subf %add3A_224, %sub3A_248 : vector<16xf32>
      %mul3A_250 = arith.constant 0.693147182 : f32
      %mul3A_251 = vector.broadcast %mul3A_250 : f32 to vector<16xf32>
      %mul3A_252 = arith.mulf %sub3A_249, %mul3A_251 : vector<16xf32>
      %add3A_253 = arith.addf %add3A_246, %mul3A_252 : vector<16xf32>
      %add3A_254 = arith.addf %scan3A_199, %add3A_253 : vector<16xf32>
      %scan3A_255 = arith.constant 1 : i32
      %scan3A_256 = arith.addi %scan3A_198, %scan3A_255 : i32
      %add3A_257 = arith.constant 24 : i32
      %add3A_258 = arith.addi %add3A_257, %scan3A_256 : i32
      %mul3A_259 = arith.constant 16 : i32
      %mul3A_260 = arith.muli %add3A_258, %mul3A_259 : i32
      %get3A_261 = arith.index_cast %mul3A_260 : i32 to index
      %get3A_262 = tpu.vector_load %arg6[%get3A_261] {strides = array<i32>} : memref<512xf32, #tpu.memory_space<vmem>>, vector<16xf32>,
      %bitcast3A_263 = vector.bitcast %get3A_262 : vector<16xf32> to vector<16xi32>
      %shift_right_arithmetic3A_264 = arith.constant 23 : i32
      %shift_right_arithmetic3A_265 = vector.broadcast %shift_right_arithmetic3A_264 : i32 to vector<16xi32>
      %shift_right_arithmetic3A_266 = arith.shrsi %bitcast3A_263, %shift_right_arithmetic3A_265 : vector<16xi32>
      %and3A_267 = arith.constant 8388607 : i32
      %and3A_268 = vector.broadcast %and3A_267 : i32 to vector<16xi32>
      %and3A_269 = arith.andi %bitcast3A_263, %and3A_268 : vector<16xi32>
      %or3A_270 = arith.constant 1065353216 : i32
      %or3A_271 = vector.broadcast %or3A_270 : i32 to vector<16xi32>
      %or3A_272 = arith.ori %and3A_269, %or3A_271 : vector<16xi32>
      %bitcast3A_273 = vector.bitcast %or3A_272 : vector<16xi32> to vector<16xf32>
      %gt3A_274 = arith.constant 1.41421354 : f32
      %gt3A_275 = vector.broadcast %gt3A_274 : f32 to vector<16xf32>
      %gt3A_276 = arith.cmpf ogt, %bitcast3A_273, %gt3A_275 : vector<16xf32>
      %mul3A_277 = arith.constant 5.000000e-01 : f32
      %mul3A_278 = vector.broadcast %mul3A_277 : f32 to vector<16xf32>
      %mul3A_279 = arith.mulf %bitcast3A_273, %mul3A_278 : vector<16xf32>
      %select_n3A_280 = arith.select %gt3A_276, %mul3A_279, %bitcast3A_273 : vector<16xi1>, vector<16xf32>
      %sub3A_281 = arith.constant 1.000000e+00 : f32
      %sub3A_282 = vector.broadcast %sub3A_281 : f32 to vector<16xf32>
      %sub3A_283 = arith.subf %select_n3A_280, %sub3A_282 : vector<16xf32>
      %convert_element_type3A_284 = arith.sitofp %shift_right_arithmetic3A_266 : vector<16xi32> to vector<16xf32>
      %jit3A_285 = arith.constant 1.000000e+00 : f32
      %jit3A_286 = arith.constant 0.000000e+00 : f32
      %broadcast_in_dim3A_287 = vector.broadcast %jit3A_285 : f32 to vector<16xf32>
      %broadcast_in_dim3A_288 = vector.broadcast %jit3A_286 : f32 to vector<16xf32>
      %select_n3A_289 = arith.select %gt3A_276, %broadcast_in_dim3A_287, %broadcast_in_dim3A_288 : vector<16xi1>, vector<16xf32>
      %add3A_290 = arith.addf %convert_element_type3A_284, %select_n3A_289 : vector<16xf32>
      %mul3A_291 = arith.constant 0.170283914 : f32
      %mul3A_292 = vector.broadcast %mul3A_291 : f32 to vector<16xf32>
      %mul3A_293 = arith.mulf %mul3A_292, %sub3A_283 : vector<16xf32>
      %add3A_294 = arith.constant -0.271096379 : f32
      %add3A_295 = vector.broadcast %add3A_294 : f32 to vector<16xf32>
      %add3A_296 = arith.addf %mul3A_293, %add3A_295 : vector<16xf32>
      %mul3A_297 = arith.mulf %add3A_296, %sub3A_283 : vector<16xf32>
      %add3A_298 = arith.constant 0.337610185 : f32
      %add3A_299 = vector.broadcast %add3A_298 : f32 to vector<16xf32>
      %add3A_300 = arith.addf %mul3A_297, %add3A_299 : vector<16xf32>
      %mul3A_301 = arith.mulf %add3A_300, %sub3A_283 : vector<16xf32>
      %add3A_302 = arith.constant -0.499335915 : f32
      %add3A_303 = vector.broadcast %add3A_302 : f32 to vector<16xf32>
      %add3A_304 = arith.addf %mul3A_301, %add3A_303 : vector<16xf32>
      %mul3A_305 = arith.mulf %add3A_304, %sub3A_283 : vector<16xf32>
      %add3A_306 = arith.constant 0.999909996 : f32
      %add3A_307 = vector.broadcast %add3A_306 : f32 to vector<16xf32>
      %add3A_308 = arith.addf %mul3A_305, %add3A_307 : vector<16xf32>
      %mul3A_309 = arith.mulf %add3A_308, %sub3A_283 : vector<16xf32>
      %add3A_310 = arith.constant -3.331600e-06 : f32
      %add3A_311 = vector.broadcast %add3A_310 : f32 to vector<16xf32>
      %add3A_312 = arith.addf %mul3A_309, %add3A_311 : vector<16xf32>
      %sub3A_313 = arith.constant 1.270000e+02 : f32
      %sub3A_314 = vector.broadcast %sub3A_313 : f32 to vector<16xf32>
      %sub3A_315 = arith.subf %add3A_290, %sub3A_314 : vector<16xf32>
      %mul3A_316 = arith.constant 0.693147182 : f32
      %mul3A_317 = vector.broadcast %mul3A_316 : f32 to vector<16xf32>
      %mul3A_318 = arith.mulf %sub3A_315, %mul3A_317 : vector<16xf32>
      %add3A_319 = arith.addf %add3A_312, %mul3A_318 : vector<16xf32>
      %add3A_320 = arith.addf %add3A_254, %add3A_319 : vector<16xf32>
      scf.yield %add3A_320 : vector<16xf32>
    }
    %scan3A_184 = arith.constant 8 : i32
    %reduce_sum3A = arith.constant true
    %reduce_sum3A_185 = vector.broadcast %reduce_sum3A : i1 to vector<16xi1>
    %reduce_sum3A_186 = tpu.scan <sum>, %scan3A_183 masked %reduce_sum3A_185 : vector<16xf32>, vector<16xi1> -> vector<16xf32>
    %reduce_sum3A_187 = vector.extract %reduce_sum3A_186[15] : f32 from vector<16xf32>
    %mul3A_188 = arith.constant 1.638400e+04 : f32
    %mul3A_189 = arith.mulf %reduce_sum3A_187, %mul3A_188 : f32
    %convert_element_type3A_190 = arith.fptosi %mul3A_189 : f32 to i32
    %sc_fetch_and_add3A = arith.constant 0 : i32
    %sc_fetch_and_add3A_191 = arith.constant 0 : i32
    %sc_fetch_and_add3A_192 = tpu.fetch_and_add_sync %arg8[%sc_fetch_and_add3A], %convert_element_type3A_190, %sc_fetch_and_add3A_191 : memref<8xi32, #tpu.memory_space<smem>>, i32 -> i32
    %barrier3A = arith.constant 0 : index
    tpu.barrier barrier_id(%barrier3A)
    %eq3A_193 = arith.constant 0 : i32
    %eq3A_194 = arith.cmpi eq, %arg1, %eq3A_193 : i32
    %convert_element_type3A_195 = arith.extui %eq3A_194 : i1 to i32
    %cond3A_196 = arith.constant 0 : i32
    %cond3A_197 = arith.cmpi ne, %convert_element_type3A_195, %cond3A_196 : i32
    scf.if %cond3A_197 {
      %get3A = arith.constant 0 : i32
      %get3A_198 = arith.index_cast %get3A : i32 to index
      %get3A_199 = memref.load %arg8[%get3A_198] : memref<8xi32, #tpu.memory_space<smem>>
      %convert_element_type3A_200 = arith.sitofp %get3A_199 : i32 to f32
      %mul3A_201 = arith.constant -3.7252903E-9 : f32
      %mul3A_202 = arith.mulf %convert_element_type3A_200, %mul3A_201 : f32
      %broadcast_in_dim3A_203 = vector.broadcast %mul3A_202 : f32 to vector<16xf32>
      %swap3A = arith.constant 0 : index
      %swap3A_204 = tpu.vector_load %arg7[%swap3A] {strides = array<i32>} : memref<16xf32, #tpu.memory_space<vmem>>, vector<16xf32>,
      tpu.vector_store %arg7[%swap3A], %broadcast_in_dim3A_203 {strides = array<i32>} : memref<16xf32, #tpu.memory_space<vmem>>, vector<16xf32>,
      "tpu.region"() ({
        %run_scoped3A = tpu.sem_alloc : memref<!tpu.dma_semaphore, #tpu.memory_space<semaphore_mem>>
        %dma_start3A_205 = arith.constant 0 : i32
        %dma_start3A_206 = tpu.memref_slice %arg4[%arg0, %dma_start3A_205] : memref<2x16xf32, #tpu.memory_space<hbm>> -> memref<1x16xf32, #tpu.memory_space<hbm>>
        %dma_start3A_207 = tpu.memref_squeeze %dma_start3A_206 : memref<1x16xf32, #tpu.memory_space<hbm>> -> memref<16xf32, #tpu.memory_space<hbm>>
        %dma_start3A_208 = arith.constant 0 : i32
        %dma_start3A_209 = tpu.memref_slice %arg4[%arg0, %dma_start3A_208] : memref<2x16xf32, #tpu.memory_space<hbm>> -> memref<1x16xf32, #tpu.memory_space<hbm>>
        %dma_start3A_210 = tpu.memref_squeeze %dma_start3A_209 : memref<1x16xf32, #tpu.memory_space<hbm>> -> memref<16xf32, #tpu.memory_space<hbm>>
        tpu.enqueue_dma source(%arg7 : memref<16xf32, #tpu.memory_space<vmem>>) target(%dma_start3A_210 : memref<16xf32, #tpu.memory_space<hbm>>) target_semaphore(%run_scoped3A : memref<!tpu.dma_semaphore, #tpu.memory_space<semaphore_mem>>)
        %dma_wait3A_211 = arith.constant 0 : i32
        %dma_wait3A_212 = tpu.memref_slice %arg4[%arg0, %dma_wait3A_211] : memref<2x16xf32, #tpu.memory_space<hbm>> -> memref<1x16xf32, #tpu.memory_space<hbm>>
        %dma_wait3A_213 = tpu.memref_squeeze %dma_wait3A_212 : memref<1x16xf32, #tpu.memory_space<hbm>> -> memref<16xf32, #tpu.memory_space<hbm>>
        %dma_wait3A_214 = arith.constant 0 : i32
        %dma_wait3A_215 = tpu.memref_slice %arg4[%arg0, %dma_wait3A_214] : memref<2x16xf32, #tpu.memory_space<hbm>> -> memref<1x16xf32, #tpu.memory_space<hbm>>
        %dma_wait3A_216 = tpu.memref_squeeze %dma_wait3A_215 : memref<1x16xf32, #tpu.memory_space<hbm>> -> memref<16xf32, #tpu.memory_space<hbm>>
        tpu.wait_dma2 semaphore(%run_scoped3A : memref<!tpu.dma_semaphore, #tpu.memory_space<semaphore_mem>>) src(%arg7 : memref<16xf32, #tpu.memory_space<vmem>>) dst(%dma_wait3A_216 : memref<16xf32, #tpu.memory_space<hbm>>)
        tpu.yield
      }) : () -> ()
    } else {
    }
    return
  }
}

</mosaic_0001>

<sc_bundles>
// kernel: kernel.3.cloned.1.call-start
scs
__scs_entry_jumppad:
0x0: {  	(pc) =	sbr.rel $0x88, $3  }
0x1: {  	(tag) =	ssettag $0x0;
	lr =	simm.s32 $0x1  }
0x2: {  	[smem:$0x3F9F] =	sst lr;
	_ =	strace $0xD0000000  }
0x3: {  	_ = 	snop  }
0x4: {  	_ = 	snop  }
0x5: {  	_ = 	snop  }
0x6: {  	_ = 	snop  }
0x7: {  	_ = 	snop  }
__scs_overlays_trampoline_lowered:
0x8: {  	[smem:$0x3FAE] =	sst s0  }
0x9: {  	[smem:$0x3FAF] =	sst s1  }
0xa: {  	[smem:$0x3FB0] =	sst s2  }
0xb: {  	[smem:$0x3FB1] =	sst s3  }
0xc: {  	[smem:$0x3FB2] =	sst s4  }
0xd: {  	[smem:$0x3FB3] =	sst s5  }
0xe: {  	[smem:$0x3FB4] =	sst s6  }
0xf: {  	[smem:$0x3FB5] =	sst s7  }
0x10: {  	[smem:$0x3FB6] =	sst s8  }
0x11: {  	[smem:$0x3FB7] =	sst s9;
	s0 =	simm.s32 @!p0 $0x0  }
0x12: {  	s1 =	sld [smem:$0x3F9D];
	s0 =	simm.s32 @p0 $0x1  }
0x13: {  	[smem:$0x3FB8] =	sst s0;
	s0 =	simm.s32 @!p1 $0x0  }
0x14: {  	s2 =	sld [smem:$0x3F9C];
	s0 =	simm.s32 @p1 $0x1  }
0x15: {  	[smem:$0x3FB9] =	sst s0;
	s0 =	simm.s32 @!p2 $0x0  }
0x16: {  	s3 =	sld [smem:$0x3FDB];
	s0 =	simm.s32 @p2 $0x1  }
0x17: {  	s4 =	simm.s32 $0x1BF5;
	[smem:$0x3FBB] =	sst s0  }
0x18: {  	s0 =	sld [smem:$0x3F9E];
	_ =	swait.ge [sflag:s4], $0x0  }
0x19: {  	s7 =	sld [smem:$0x3F9F]  }
0x1a: {  	s8 =	sadd.s32 $0xFFFFE003, lr  }
0x1b: {  	s9 =	sadd.s32 $0xFFFFFEF7, lr;
	s5 =	simm.s32 $0xFFFFFFFF;
	p2 =	slt.u32 s8, $0xFFFFF086  }
0x1c: {  	p1 =	slt.u32 s9, $0xF7A;
	s5 =	simm.s32 @!p2 $0x0  }
0x1d: {  	s5 =	simm.s32 @p1 $0x1;
	p0 =	seq.s32 s7, s2  }
0x1e: {  	s7 =	smul.u32 @!p0 $0xF7A, s2;
	p2 =	seq.s32 @!p0 s5, $0x0  }
0x1f: {  	s9 =	smul.u32 $0xF7A, s1;
	s8 =	simm.s32 @!p0 $0x1BF5;
	p2 =	por !p2, p0  }
0x20: {  	[sflag:s8] =	ssyncset.s32 @!p0 $0xFFFFF086;
	s6 =	sadd.s32 @!p0 s3, s7;
	s7 =	simm.s32 @!p0 $0x108  }
0x21: {  	s3 =	sadd.s32 s3, s9;
	s6 =	sadd.s32 @!p0 $0x88, s6;
	s7 =	simm.s32 @p2 $0x1082  }
0x22: {  	[simem:s7], [sflag:s8] =	dma.local @!p0 [hbm:s6], $0xF7A  }
0x23: {  	s9 =	sor.u32 $0xD0000000, s2;
	s6 =	simm.s32 $0x108;
	_ =	swait.ge @!p0 [sflag:s8], $0x0  }
0x24: {  	s3 =	sadd.s32 $0x88, s3;
	s6 =	simm.s32 @!p1 $0x1082;
	[sflag:s4] =	ssyncset.s32 $0xFFFFF086  }
0x25: {  	[simem:s6], [sflag:s4] =	dma.local [hbm:s3], $0xF7A  }
0x26: {  	[smem:$0x3F9F] =	sst s1;
	(tag) =	ssettag s2;
	_ =	strace s9  }
0x27: {  	s1 =	sld [smem:$0x3FAF]  }
0x28: {  	s2 =	sld [smem:$0x3FB0]  }
0x29: {  	s4 =	sld [smem:$0x3FB2]  }
0x2a: {  	p0 =	seq.s32 s5, $0x0;
	s5 =	sld [smem:$0x3FB3]  }
0x2b: {  	s6 =	sld [smem:$0x3FB4]  }
0x2c: {  	s7 =	sld [smem:$0x3FB5]  }
0x2d: {  	s3 =	simm.s32 $0x108;
	s8 =	sld [smem:$0x3FB6]  }
0x2e: {  	s3 =	simm.s32 @!p0 $0x1082;
	s9 =	sld [smem:$0x3FB7]  }
0x2f: {  	lr =	sadd.s32 s0, s3;
	s0 =	sld [smem:$0x3FAE]  }
0x30: {  	s3 =	sld [smem:$0x3FB1]  }
0x31: {  	[smem:$0x3FBA] =	sst s10  }
0x32: {  	s10 =	sld [smem:$0x3FB8];
	_ =	sdelay $0x3  }
0x33: {  	p0 =	seq.s32 s10, $0x1;
	s10 =	sld [smem:$0x3FBA];
	_ =	sdelay $0x3  }
0x34: {  	[smem:$0x3FBA] =	sst s10  }
0x35: {  	s10 =	sld [smem:$0x3FB9];
	_ =	sdelay $0x3  }
0x36: {  	p1 =	seq.s32 s10, $0x1;
	s10 =	sld [smem:$0x3FBA];
	_ =	sdelay $0x3  }
0x37: {  	[smem:$0x3FBA] =	sst s10  }
0x38: {  	s10 =	sld [smem:$0x3FBB]  }
0x39: {  	_ = 	snop;
	(pc) =	sbr.ind lr, $3  }
0x3a: {  	_ = 	snop  }
0x3b: {  	_ = 	snop  }
0x3c: {  	p2 =	seq.s32 s10, $0x1;
	s10 =	sld [smem:$0x3FBA]  }
0x3d: {  	_ =	shalt  }
0x3e: {  	_ =	shalt  }
0x3f: {  	_ =	shalt  }
0x40: {  	_ =	shalt  }
0x41: {  	_ =	shalt  }
0x42: {  	_ =	shalt  }
0x43: {  	_ =	shalt  }
0x44: {  	_ =	shalt  }
0x45: {  	_ =	shalt  }
0x46: {  	_ =	shalt  }
0x47: {  	_ =	shalt  }
0x48: {  	_ =	shalt  }
0x49: {  	_ =	shalt  }
0x4a: {  	_ =	shalt  }
0x4b: {  	_ =	shalt  }
0x4c: {  	_ =	shalt  }
0x4d: {  	_ =	shalt  }
0x4e: {  	_ =	shalt  }
0x4f: {  	_ =	shalt  }
0x50: {  	_ =	shalt  }
0x51: {  	_ =	shalt  }
0x52: {  	_ =	shalt  }
0x53: {  	_ =	shalt  }
0x54: {  	_ =	shalt  }
0x55: {  	_ =	shalt  }
0x56: {  	_ =	shalt  }
0x57: {  	_ =	shalt  }
0x58: {  	_ =	shalt  }
0x59: {  	_ =	shalt  }
0x5a: {  	_ =	shalt  }
0x5b: {  	_ =	shalt  }
0x5c: {  	_ =	shalt  }
0x5d: {  	_ =	shalt  }
0x5e: {  	_ =	shalt  }
0x5f: {  	_ =	shalt  }
0x60: {  	_ =	shalt  }
0x61: {  	_ =	shalt  }
0x62: {  	_ =	shalt  }
0x63: {  	_ =	shalt  }
0x64: {  	_ =	shalt  }
0x65: {  	_ =	shalt  }
0x66: {  	_ =	shalt  }
0x67: {  	_ =	shalt  }
0x68: {  	_ =	shalt  }
0x69: {  	_ =	shalt  }
0x6a: {  	_ =	shalt  }
0x6b: {  	_ =	shalt  }
0x6c: {  	_ =	shalt  }
0x6d: {  	_ =	shalt  }
0x6e: {  	_ =	shalt  }
0x6f: {  	_ =	shalt  }
0x70: {  	_ =	shalt  }
0x71: {  	_ =	shalt  }
0x72: {  	_ =	shalt  }
0x73: {  	_ =	shalt  }
0x74: {  	_ =	shalt  }
0x75: {  	_ =	shalt  }
0x76: {  	_ =	shalt  }
0x77: {  	_ =	shalt  }
0x78: {  	_ =	shalt  }
0x79: {  	_ =	shalt  }
0x7a: {  	_ =	shalt  }
0x7b: {  	_ =	shalt  }
0x7c: {  	_ =	shalt  }
0x7d: {  	_ =	shalt  }
0x7e: {  	_ =	shalt  }
0x7f: {  	_ =	shalt  }
0x80: {  	_ =	shalt  }
0x81: {  	_ =	shalt  }
0x82: {  	_ =	shalt  }
0x83: {  	_ =	shalt  }
0x84: {  	_ =	shalt  }
0x85: {  	_ =	shalt  }
0x86: {  	_ =	shalt  }
0x87: {  	_ =	shalt  }
.Lfunc_end0:
.L_simem_size_0:
called_computation_lowered:
.L_overlay_start_0:
0x88: {  	s2 =	sld [smem:$0x3FD9]  }
0x89: {  	s3 =	sld [smem:$0x3FFE];
	_ =	sdelay $0x1  }
0x8a: {  	s1 =	srdreg.scid  }
0x8b: {  	s0 =	sand.u32 $0x1, s1  }
0x8c: {  	s17 =	sshll.u32 s0, $0xA;
	s2 =	sadd.s32 s3, s2  }
0x8d: {  	s2 =	sadd.s32 s2, s17  }
0x8e: {  	[smem:$0x3FC6] =	sst s2  }
0x8f: {  	_ = 	snop  }
0x90: {  	s2 =	sld [smem:$0x3FC9];
	(tm) =	ssettm $0x1  }
0x91: {  	s18 =	sld [smem:$0x3FFB];
	_ =	sdelay $0x3  }
0x92: {  	_ =	strace s18  }
0x93: {  	s3 =	sld [smem:$0x3FFC];
	_ =	sdelay $0x3  }
0x94: {  	_ =	strace s3  }
0x95: {  	s3 =	sld [smem:$0x3FFD];
	_ =	sdelay $0x3  }
0x96: {  	_ =	strace s3  }
0x97: {  	_ =	strace $0x8FFFFFFF  }
0x98: {  	s19 =	sld [smem:$0x3FDB];
	_ =	sdelay $0x1  }
0x99: {  	s4 =	simm.s32 $_scs_section_size  }
0x9a: {  	s5 =	simm.s32 $_size__tile_overlayer_lowered;
	s6 =	simm.s32 $_tile_overlayer_lowered  }
0x9b: {  	s22 =	simm.s32 $0x1BFF;
	s21 =	sshll.u32 s6, $0x1;
	s3 =	sadd.s32 s4, s19  }
0x9c: {  	s7 =	simm.s32 $0x0;
	s20 =	sshll.u32 s5, $0x1;
	s5 =	sadd.s32 s21, s3  }
0x9d: {  	[timem:s7], [sflag:s22] =	dma.local [hbm:s5], s20  }
0x9e: {  	_ =	swait.ge [sflag:s22], s20  }
0x9f: {  	s4 =	ssub.s32 $0x0, s20;
	[sflag:s22] =	ssyncset.done $0x0  }
0xa0: {  	[sflag:s22] =	ssyncadd.s32 s4;
	_ =	sdelay $0x1  }
0xa1: {  	s23 =	simm.s32 $0x1B8B  }
0xa2: {  	_ =	swait.ge [sflag:s23], $0x1  }
0xa3: {  	[sflag:s23] =	ssyncset.done $0x0  }
0xa4: {  	s25 =	simm.s32 $0x1B8E;
	s24 =	sld [smem:$0x3FFE];
	[sflag:s23] =	ssyncadd.s32 $0xFFFFFFFF  }
0xa5: {  	s26 =	simm.s32 $execute0_lowered;
	[smem:$0x3FD2] =	sst s25  }
0xa6: {  	s5 =	sshll.u32 s26, $0x1;
	_ =	strace $0x80000046;
	[dreg:$0x1] =	wrdreg $0xFFFFFFFF  }
0xa7: {  	s28 =	simm.s32 $_size_execute0_lowered;
	s3 =	sadd.s32 s3, s5;
	[dreg:$0x0] =	wrdreg $0x0  }
0xa8: {  	s5 =	sshll.u32 s28, $0x1;
	[dreg:$0x2] =	wrdreg s3  }
0xa9: {  	[dreg:$0x3] =	wrdreg s5  }
0xaa: {  	[dreg:$0x4] =	wrdreg $0xC0  }
0xab: {  	_ =	task [dreg:s7], $0x5FFFF  }
0xac: {  	[dreg:$0x1] =	wrdreg $0xFFFFFFFF  }
0xad: {  	[dreg:$0x0] =	wrdreg $0x60  }
0xae: {  	[dreg:$0x2] =	wrdreg s2  }
0xaf: {  	[dreg:$0x3] =	wrdreg s24  }
0xb0: {  	[dreg:$0x4] =	wrdreg $0x9  }
0xb1: {  	_ =	task.clear_ibuf [dreg:s7], $0x5FFFF;
	_ =	strace $0x90000046  }
0xb2: {  	s29 =	simm.s32 $0x9;
	_ =	strace $0x80000048  }
0xb3: {  	_ =	swait.ge [sflag:s29], $0x1  }
0xb4: {  	[sflag:s29] =	ssyncadd.s32 $0xFFFFFFFF  }
0xb5: {  	_ =	strace $0x90000048  }
0xb6: {  	_ =	sfence  }
0xb7: {  	s30 =	sld [smem:$0x0];
	_ =	sdelay $0x2  }
0xb8: {  	s31 =	sshll.u32 s1, $0xD;
	s1 =	sshrl.u32 s1, $0x2  }
0xb9: {  	s3 =	sand.u32 $0x4000, s31;
	s1 =	sadd.s32 s1, s30  }
0xba: {  	s0 =	sor.u32 s3, s0;
	s1 =	sshll.u32 s1, $0x11  }
0xbb: {  	s0 =	sor.u32 s1, s0  }
0xbc: {  	s0 =	sadd.s32 $0x8F2B, s0  }
0xbd: {  	[sflag:s0] =	ssyncadd.remote.s32 $0x1  }
0xbe: {  	_ =	sfence.sel $0xFFFF  }
0xbf: {  	[dreg:$0x0] =	wrdreg $0xFFFFFFFF;
	(pc) =	sbr.abs _section_cstart, $3  }
0xc0: {  	[dreg:$0x1] =	wrdreg $0xFFFFFFFF  }
0xc1: {  	_ =	task.clear_ibuf [dreg:s7], $0x2FFFF;
	_ =	strace $0x9FFFFFFF  }
0xc2: {  	(tm) =	ssettm $0x7FFFFFFF  }
0xc3: {  	_ =	shalt  }
tec
execute0_lowered:
.L_overlay_start_1:
0x0: {  	(tag) =	ssettag $0x1  }
0x1: {  	s1 =	rddreg [dreg:$0x0]  }
0x2: {  	s3 =	rddreg [dreg:$0x1]  }
0x3: {  	s0 =	rddreg [dreg:$0x2]  }
0x4: {  	s2 =	simm.s32 $0x0;
	s4 =	srdreg.scid;
	s9 =	stileid.u32  }
0x5: {  	s12 =	simm.s32 $0x2;
	s13 =	simm.s32 $0x200;
	s14 =	simm.s32 $0x280  }
0x6: {  	s15 =	simm.s32 $0x300;
	s16 =	simm.s32 $0x380;
	s17 =	simm.s32 $0x1  }
0x7: {  	s18 =	simm.s32 $0x3;
	s19 =	simm.s32 $0x0;
	[smem:$0x7FF] =	sst s2  }
0x8: {  	s4 =	sand.u32 $0x1, s4;
	s6 =	sshll.u32 s9, $0x6;
	p0 =	sne.s32 s9, $0x0  }
0x9: {  	s9 =	simm.s32 $0x80;
	_ =	strace $0x80000047;
	s5 =	sshll.u32 s4, $0xA  }
0xa: {  	s7 =	ssub.s32 $0x2, s4;
	s4 =	sshll.u32 s4, $0x4;
	s5 =	sor.u32 s5, s6  }
0xb: {  	s31 =	sshrl.u32 s7, $0x1;
	s10 =	sadd.s32 s4, s3;
	s8 =	sadd.s32 s5, s3  }
0xc: {  	s11 =	ssub.s32 s7, s31;
	s7 =	sadd.s32 $0xE00, s10;
	s10 =	simm.s32 $0x100  }
0xd: {  	s3 =	sadd.s32 $0x600, s8;
	s4 =	sadd.s32 $0x610, s8;
	s5 =	sadd.s32 $0x620, s8  }
0xe: {  	v0 =	vimm.f32 $0.0e+00;
	s6 =	sadd.s32 $0x630, s8;
	s8 =	smax.u32 s11, $0x1;
	s11 =	simm.s32 $0x180  }
.LBB2_1:
0xf: {  	[tilespmem:s2], [sflag:$0x2] =	stream.linear.gather [hbm4b:s3+s2], $0x80, $0x38;
	[tilespmem:$0x480] =	vst v63  }
0x10: {  	_ = 	snop  }
0x11: {  	[tilespmem:s9], [sflag:$0x2] =	stream.linear.gather [hbm4b:s4+s2], $0x80, $0x38;
	[tilespmem:$0x480] =	vst v63  }
0x12: {  	s20 =	simm.s32 @!p0 $0x0  }
0x13: {  	[tilespmem:s10], [sflag:$0x2] =	stream.linear.gather [hbm4b:s5+s2], $0x80, $0x38;
	[tilespmem:$0x480] =	vst v63  }
0x14: {  	[smem:$0x0] =	sst @!p0 s20  }
0x15: {  	[tilespmem:s11], [sflag:$0x2] =	stream.linear.gather [hbm4b:s6+s2], $0x80, $0x38;
	[tilespmem:$0x480] =	vst v63  }
0x16: {  	_ =	swait.ge [sflag:s12], $0x80  }
0x17: {  	[sflag:s12] =	ssyncset.done $0x0  }
0x18: {  	[sflag:s12] =	ssyncadd.s32 $0xFFFFFF80  }
0x19: {  	[tilespmem:s13], [sflag:$0x1] =	stream.indirect.gather [hbm4b:s1+s9], $0x1, s2, s9, $0xb8;
	[tilespmem:$0x480] =	vst v63  }
0x1a: {  	_ =	swait.ge [sflag:s12], $0x80  }
0x1b: {  	[sflag:s12] =	ssyncset.done $0x0  }
0x1c: {  	[sflag:s12] =	ssyncadd.s32 $0xFFFFFF80  }
0x1d: {  	[tilespmem:s14], [sflag:$0x1] =	stream.indirect.gather [hbm4b:s1+s9], $0x1, s9, s9, $0xb8;
	[tilespmem:$0x480] =	vst v63  }
0x1e: {  	_ =	swait.ge [sflag:s12], $0x80  }
0x1f: {  	[sflag:s12] =	ssyncset.done $0x0  }
0x20: {  	[sflag:s12] =	ssyncadd.s32 $0xFFFFFF80  }
0x21: {  	[tilespmem:s15], [sflag:$0x1] =	stream.indirect.gather [hbm4b:s1+s9], $0x1, s10, s9, $0xb8;
	[tilespmem:$0x480] =	vst v63  }
0x22: {  	_ =	swait.ge [sflag:s12], $0x80  }
0x23: {  	[sflag:s12] =	ssyncset.done $0x0  }
0x24: {  	[sflag:s12] =	ssyncadd.s32 $0xFFFFFF80  }
0x25: {  	[tilespmem:s16], [sflag:$0x1] =	stream.indirect.gather [hbm4b:s1+s9], $0x1, s11, s9, $0xb8;
	[tilespmem:$0x480] =	vst v63  }
0x26: {  	_ =	swait.ge [sflag:s17], $0x80  }
0x27: {  	[sflag:s17] =	ssyncset.done $0x0  }
0x28: {  	s30 =	simm.s32 $0x210;
	[sflag:s17] =	ssyncadd.s32 $0xFFFFFF80  }
0x29: {  	v5 =	vld [tilespmem:s30+$0xFFFFFFF0];
	_ =	sdelay $0x1  }
0x2a: {  	v6 =	vld [tilespmem:s30+$0x0];
	_ =	sdelay $0x2  }
0x2b: {  	v1 =	vand.u32 $0x7FFFFF, v5  }
0x2c: {  	v1 =	vor.u32 $0x3F800000, v1  }
0x2d: {  	v2 =	vand.u32 $0x7FFFFF, v6;
	v3 =	vmul.f32 $5.000000000e-01, v1  }
0x2e: {  	v2 =	vor.u32 $0x3F800000, v2;
	vm2 =	vgt.f32 v1, $1.414213540e+00  }
0x2f: {  	v7 =	vmul.f32 $5.000000000e-01, v2;
	v1 =	vsel vm2, v3, v1  }
0x30: {  	vm0 =	vgt.f32 v2, $1.414213540e+00;
	v4 =	vadd.f32 $-1.000000000e+00, v1  }
0x31: {  	v1 =	vsel vm0, v7, v2  }
0x32: {  	s31 =	simm.s32 $0x230;
	v1 =	vadd.f32 $-1.000000000e+00, v1;
	v2 =	vmul.f32 $1.702839140e-01, v4  }
0x33: {  	v3 =	vld [tilespmem:s31+$0x0]  }
0x34: {  	v8 =	vmul.f32 $1.702839140e-01, v1;
	v7 =	vadd.f32 $-2.710963790e-01, v2;
	v2 =	vld [tilespmem:s31+$0xFFFFFFF0];
	_ =	sdelay $0x1  }
0x35: {  	v6 =	vshra.s32 v6, $0x17;
	v8 =	vadd.f32 $-2.710963790e-01, v8;
	v7 =	vmul.f32 v7, v4  }
0x36: {  	v5 =	vshra.s32 v5, $0x17;
	v13 =	vcvt.s32.f32 v6  }
0x37: {  	v5 =	vcvt.s32.f32 v5;
	v8 =	vmul.f32 v8, v1;
	v7 =	vadd.f32 $3.376101850e-01, v7  }
0x38: {  	vm3 =	vmmov vm0;
	v9 =	vand.u32 $0x7FFFFF, v3;
	v10 =	vand.u32 $0x7FFFFF, v2  }
0x39: {  	v6 =	vmul.f32 v7, v4;
	v7 =	vadd.f32 $3.376101850e-01, v8;
	v8 =	vor.u32 $0x3F800000, v10  }
0x3a: {  	v12 =	vsel vm2, $0x3F800000, v0;
	v9 =	vor.u32 $0x3F800000, v9;
	v10 =	vmul.f32 $5.000000000e-01, v8  }
0x3b: {  	vm0 =	vgt.f32 v8, $1.414213540e+00;
	v6 =	vadd.f32 $-4.993359150e-01, v6;
	v7 =	vmul.f32 v7, v1  }
0x3c: {  	vm1 =	vgt.f32 v9, $1.414213540e+00;
	v11 =	vmul.f32 $5.000000000e-01, v9;
	v8 =	vsel vm0, v10, v8  }
0x3d: {  	v6 =	vmul.f32 v6, v4;
	v10 =	vadd.f32 $-4.993359150e-01, v7;
	v7 =	vadd.f32 $-1.000000000e+00, v8  }
0x3e: {  	v9 =	vsel vm1, v11, v9;
	v8 =	vadd.f32 v5, v12;
	v5 =	vsel vm3, $0x3F800000, v0  }
0x3f: {  	v11 =	vadd.f32 $9.999099960e-01, v6;
	v10 =	vmul.f32 v10, v1;
	v12 =	vmul.f32 $1.702839140e-01, v7  }
0x40: {  	s21 =	simm.s32 $0x250;
	s20 =	simm.s32 $0x2;
	v6 =	vadd.f32 $-1.000000000e+00, v9;
	v9 =	vadd.f32 v13, v5;
	v5 =	vimm.f32 $0.0e+00  }
.LBB2_2:
0x41: {  	v11 =	vmul.f32 v11, v4  }
0x42: {  	v13 =	vld [tilespmem:s21+$0x0];
	v8 =	vadd.f32 $-1.270000000e+02, v8;
	v10 =	vadd.f32 $9.999099960e-01, v10;
	v4 =	vmovc v7;
	vm2 =	vmmov vm1  }
0x43: {  	v7 =	vadd.f32 $-2.710963790e-01, v12;
	v12 =	vmul.f32 $1.702839140e-01, v6;
	v9 =	vadd.f32 $-1.270000000e+02, v9  }
0x44: {  	v14 =	vld [tilespmem:s21+$0xFFFFFFF0];
	v11 =	vadd.f32 $-3.331600060e-06, v11;
	v8 =	vmul.f32 $6.931471820e-01, v8;
	v10 =	vmul.f32 v10, v1;
	v1 =	vmovc v6  }
0x45: {  	v6 =	vmul.f32 v7, v4;
	v7 =	vshra.s32 v3, $0x17;
	v12 =	vadd.f32 $-2.710963790e-01, v12  }
0x46: {  	s20 =	sadd.s32 $0x2, s20;
	v9 =	vmul.f32 $6.931471820e-01, v9;
	v8 =	vadd.f32 v11, v8;
	v10 =	vadd.f32 $-3.331600060e-06, v10  }
0x47: {  	v15 =	vshra.s32 v2, $0x17;
	p1 =	slt.u32 s20, $0x6;
	v11 =	vand.u32 $0x7FFFFF, v13;
	v6 =	vadd.f32 $3.376101850e-01, v6;
	v3 =	vmovc v13  }
0x48: {  	v12 =	vmul.f32 v12, v1;
	v5 =	vadd.f32 v8, v5;
	v8 =	vadd.f32 v10, v9  }
0x49: {  	v13 =	vcvt.s32.f32 v7;
	v10 =	vor.u32 $0x3F800000, v11;
	v9 =	vand.u32 $0x7FFFFF, v14;
	v2 =	vmovc v14  }
0x4a: {  	v6 =	vmul.f32 v6, v4;
	v7 =	vadd.f32 $3.376101850e-01, v12;
	v5 =	vadd.f32 v8, v5  }
0x4b: {  	vm1 =	vgt.f32 v10, $1.414213540e+00;
	v8 =	vor.u32 $0x3F800000, v9;
	v9 =	vcvt.s32.f32 v15  }
0x4c: {  	v11 =	vmul.f32 $5.000000000e-01, v8;
	v6 =	vadd.f32 $-4.993359150e-01, v6;
	v7 =	vmul.f32 v7, v1  }
.Ltmp0:
0x4d: {  	v12 =	vmul.f32 $5.000000000e-01, v10;
	v14 =	vsel vm0, $0x3F800000, v0;
	vm0 =	vgt.f32 v8, $1.414213540e+00;
	(pc) =	sbr.rel @p1 .LBB2_2-.Ltmp0, $4  }
0x4e: {  	v8 =	vsel vm0, v11, v8;
	v6 =	vmul.f32 v6, v4;
	v15 =	vadd.f32 $-4.993359150e-01, v7  }
0x4f: {  	v7 =	vadd.f32 $-1.000000000e+00, v8;
	v8 =	vadd.f32 v9, v14;
	v9 =	vsel vm2, $0x3F800000, v0  }
0x50: {  	v14 =	vsel vm1, v12, v10;
	v11 =	vadd.f32 $9.999099960e-01, v6;
	v10 =	vmul.f32 v15, v1  }
0x51: {  	s21 =	sadd.s32 $0x20, s21;
	v6 =	vadd.f32 $-1.000000000e+00, v14;
	v9 =	vadd.f32 v13, v9;
	v12 =	vmul.f32 $1.702839140e-01, v7  }
0x52: {  	_ = 	snop  }
0x53: {  	v12 =	vadd.f32 $-2.710963790e-01, v12;
	_ =	sdelay $0x1  }
0x54: {  	v13 =	vmul.f32 $1.702839140e-01, v6;
	v12 =	vmul.f32 v12, v7  }
0x55: {  	v4 =	vmul.f32 v11, v4;
	v8 =	vadd.f32 $-1.270000000e+02, v8;
	v10 =	vadd.f32 $9.999099960e-01, v10  }
0x56: {  	v11 =	vadd.f32 $-2.710963790e-01, v13;
	v12 =	vadd.f32 $3.376101850e-01, v12  }
0x57: {  	_ =	swait.ge [sflag:s17], $0x80;
	v4 =	vadd.f32 $-3.331600060e-06, v4;
	v8 =	vmul.f32 $6.931471820e-01, v8;
	v1 =	vmul.f32 v10, v1  }
0x58: {  	vm1 =	vmmov vm1;
	[sflag:s17] =	ssyncset.done $0x0;
	v11 =	vmul.f32 v11, v6;
	v10 =	vmul.f32 v12, v7  }
0x59: {  	s20 =	simm.s32 $0x290;
	v3 =	vshra.s32 v3, $0x17;
	v9 =	vadd.f32 $-1.270000000e+02, v9;
	[sflag:s17] =	ssyncadd.s32 $0xFFFFFF80;
	v4 =	vadd.f32 v4, v8  }
0x5a: {  	v2 =	vshra.s32 v2, $0x17;
	v8 =	vadd.f32 $3.376101850e-01, v11;
	v11 =	vld [tilespmem:s20+$0xFFFFFFF0];
	v10 =	vadd.f32 $-4.993359150e-01, v10  }
0x5b: {  	v2 =	vcvt.s32.f32 v2;
	v9 =	vmul.f32 $6.931471820e-01, v9;
	v1 =	vadd.f32 $-3.331600060e-06, v1  }
0x5c: {  	v3 =	vcvt.s32.f32 v3;
	v4 =	vadd.f32 v4, v5;
	v5 =	vmul.f32 v10, v7;
	v10 =	vld [tilespmem:s20+$0x0]  }
0x5d: {  	v1 =	vadd.f32 v1, v9;
	v9 =	vsel vm0, $0x3F800000, v0;
	v8 =	vmul.f32 v8, v6  }
0x5e: {  	v2 =	vadd.f32 v2, v9;
	v9 =	vsel vm1, $0x3F800000, v0;
	v5 =	vadd.f32 $9.999099960e-01, v5  }
0x5f: {  	v3 =	vadd.f32 v3, v9;
	v8 =	vadd.f32 $-4.993359150e-01, v8;
	v12 =	vand.u32 $0x7FFFFF, v11  }
0x60: {  	v2 =	vadd.f32 $-1.270000000e+02, v2;
	v5 =	vmul.f32 v5, v7;
	v7 =	vor.u32 $0x3F800000, v12  }
0x61: {  	v8 =	vmul.f32 v8, v6;
	v9 =	vand.u32 $0x7FFFFF, v10;
	v12 =	vmul.f32 $5.000000000e-01, v7  }
0x62: {  	v13 =	vadd.f32 $-1.270000000e+02, v3;
	vm2 =	vgt.f32 v7, $1.414213540e+00;
	v9 =	vor.u32 $0x3F800000, v9  }
0x63: {  	v8 =	vadd.f32 $9.999099960e-01, v8;
	v14 =	vmul.f32 $5.000000000e-01, v9;
	v3 =	vsel vm2, v12, v7  }
0x64: {  	v2 =	vmul.f32 $6.931471820e-01, v2;
	vm0 =	vgt.f32 v9, $1.414213540e+00;
	v3 =	vadd.f32 $-1.000000000e+00, v3  }
0x65: {  	v5 =	vadd.f32 $-3.331600060e-06, v5;
	v6 =	vmul.f32 v8, v6;
	v7 =	vsel vm0, v14, v9  }
0x66: {  	s31 =	simm.s32 $0x2B0;
	v4 =	vadd.f32 v1, v4;
	v8 =	vmul.f32 $1.702839140e-01, v3;
	v1 =	vadd.f32 $-1.000000000e+00, v7  }
0x67: {  	v6 =	vadd.f32 $-3.331600060e-06, v6;
	v9 =	vmul.f32 $6.931471820e-01, v13;
	v7 =	vadd.f32 v5, v2;
	v5 =	vld [tilespmem:s31+$0x0]  }
0x68: {  	v2 =	vld [tilespmem:s31+$0xFFFFFFF0];
	v8 =	vadd.f32 $-2.710963790e-01, v8;
	v12 =	vmul.f32 $1.702839140e-01, v1  }
0x69: {  	v6 =	vadd.f32 v6, v9;
	v4 =	vadd.f32 v7, v4  }
0x6a: {  	v7 =	vmul.f32 v8, v3;
	v8 =	vadd.f32 $-2.710963790e-01, v12  }
0x6b: {  	vm3 =	vmmov vm0;
	v14 =	vsel vm2, $0x3F800000, v0;
	v4 =	vadd.f32 v6, v4  }
0x6c: {  	v6 =	vshra.s32 v10, $0x17;
	v7 =	vadd.f32 $3.376101850e-01, v7;
	v8 =	vmul.f32 v8, v1  }
0x6d: {  	v10 =	vshra.s32 v11, $0x17;
	v9 =	vand.u32 $0x7FFFFF, v5;
	v11 =	vand.u32 $0x7FFFFF, v2  }
0x6e: {  	v13 =	vcvt.s32.f32 v6;
	v6 =	vmul.f32 v7, v3;
	v7 =	vadd.f32 $3.376101850e-01, v8  }
0x6f: {  	v10 =	vcvt.s32.f32 v10;
	v9 =	vor.u32 $0x3F800000, v9;
	v8 =	vor.u32 $0x3F800000, v11  }
0x70: {  	v11 =	vmul.f32 $5.000000000e-01, v8;
	v6 =	vadd.f32 $-4.993359150e-01, v6;
	v7 =	vmul.f32 v7, v1  }
0x71: {  	vm1 =	vgt.f32 v9, $1.414213540e+00;
	v12 =	vmul.f32 $5.000000000e-01, v9;
	vm0 =	vgt.f32 v8, $1.414213540e+00  }
0x72: {  	v8 =	vsel vm0, v11, v8;
	v6 =	vmul.f32 v6, v3;
	v15 =	vadd.f32 $-4.993359150e-01, v7  }
0x73: {  	v9 =	vsel vm1, v12, v9;
	v7 =	vadd.f32 $-1.000000000e+00, v8;
	v8 =	vadd.f32 v10, v14  }
0x74: {  	v14 =	vsel vm3, $0x3F800000, v0;
	v11 =	vadd.f32 $9.999099960e-01, v6;
	v10 =	vmul.f32 v15, v1  }
0x75: {  	s21 =	simm.s32 $0x2D0;
	s20 =	simm.s32 $0x2;
	v12 =	vmul.f32 $1.702839140e-01, v7;
	v6 =	vadd.f32 $-1.000000000e+00, v9;
	v9 =	vadd.f32 v13, v14  }
.LBB2_4:
0x76: {  	v11 =	vmul.f32 v11, v3  }
0x77: {  	v13 =	vld [tilespmem:s21+$0x0];
	v8 =	vadd.f32 $-1.270000000e+02, v8;
	v10 =	vadd.f32 $9.999099960e-01, v10;
	v3 =	vmovc v7;
	vm2 =	vmmov vm1  }
0x78: {  	v7 =	vadd.f32 $-2.710963790e-01, v12;
	v12 =	vmul.f32 $1.702839140e-01, v6;
	v9 =	vadd.f32 $-1.270000000e+02, v9  }
0x79: {  	v14 =	vld [tilespmem:s21+$0xFFFFFFF0];
	v11 =	vadd.f32 $-3.331600060e-06, v11;
	v8 =	vmul.f32 $6.931471820e-01, v8;
	v10 =	vmul.f32 v10, v1;
	v1 =	vmovc v6  }
0x7a: {  	v6 =	vmul.f32 v7, v3;
	v7 =	vshra.s32 v5, $0x17;
	v12 =	vadd.f32 $-2.710963790e-01, v12  }
0x7b: {  	s20 =	sadd.s32 $0x2, s20;
	v9 =	vmul.f32 $6.931471820e-01, v9;
	v8 =	vadd.f32 v11, v8;
	v10 =	vadd.f32 $-3.331600060e-06, v10  }
0x7c: {  	v15 =	vshra.s32 v2, $0x17;
	p1 =	slt.u32 s20, $0x6;
	v11 =	vand.u32 $0x7FFFFF, v13;
	v6 =	vadd.f32 $3.376101850e-01, v6;
	v5 =	vmovc v13  }
0x7d: {  	v12 =	vmul.f32 v12, v1;
	v4 =	vadd.f32 v8, v4;
	v8 =	vadd.f32 v10, v9  }
0x7e: {  	v13 =	vcvt.s32.f32 v7;
	v10 =	vor.u32 $0x3F800000, v11;
	v9 =	vand.u32 $0x7FFFFF, v14;
	v2 =	vmovc v14  }
0x7f: {  	v6 =	vmul.f32 v6, v3;
	v7 =	vadd.f32 $3.376101850e-01, v12;
	v4 =	vadd.f32 v8, v4  }
0x80: {  	vm1 =	vgt.f32 v10, $1.414213540e+00;
	v8 =	vor.u32 $0x3F800000, v9;
	v9 =	vcvt.s32.f32 v15  }
0x81: {  	v11 =	vmul.f32 $5.000000000e-01, v8;
	v6 =	vadd.f32 $-4.993359150e-01, v6;
	v7 =	vmul.f32 v7, v1  }
.Ltmp1:
0x82: {  	v12 =	vmul.f32 $5.000000000e-01, v10;
	v14 =	vsel vm0, $0x3F800000, v0;
	vm0 =	vgt.f32 v8, $1.414213540e+00;
	(pc) =	sbr.rel @p1 .LBB2_4-.Ltmp1, $4  }
0x83: {  	v8 =	vsel vm0, v11, v8;
	v6 =	vmul.f32 v6, v3;
	v15 =	vadd.f32 $-4.993359150e-01, v7  }
0x84: {  	v7 =	vadd.f32 $-1.000000000e+00, v8;
	v8 =	vadd.f32 v9, v14;
	v9 =	vsel vm2, $0x3F800000, v0  }
0x85: {  	v14 =	vsel vm1, v12, v10;
	v11 =	vadd.f32 $9.999099960e-01, v6;
	v10 =	vmul.f32 v15, v1  }
0x86: {  	s21 =	sadd.s32 $0x20, s21;
	v6 =	vadd.f32 $-1.000000000e+00, v14;
	v9 =	vadd.f32 v13, v9;
	v12 =	vmul.f32 $1.702839140e-01, v7  }
0x87: {  	_ = 	snop  }
0x88: {  	v12 =	vadd.f32 $-2.710963790e-01, v12;
	_ =	sdelay $0x1  }
0x89: {  	v13 =	vmul.f32 $1.702839140e-01, v6;
	v12 =	vmul.f32 v12, v7  }
0x8a: {  	v3 =	vmul.f32 v11, v3;
	v8 =	vadd.f32 $-1.270000000e+02, v8;
	v10 =	vadd.f32 $9.999099960e-01, v10  }
0x8b: {  	v11 =	vadd.f32 $-2.710963790e-01, v13;
	v12 =	vadd.f32 $3.376101850e-01, v12  }
0x8c: {  	_ =	swait.ge [sflag:s17], $0x80;
	v3 =	vadd.f32 $-3.331600060e-06, v3;
	v8 =	vmul.f32 $6.931471820e-01, v8;
	v1 =	vmul.f32 v10, v1  }
0x8d: {  	vm1 =	vmmov vm1;
	[sflag:s17] =	ssyncset.done $0x0;
	v11 =	vmul.f32 v11, v6;
	v10 =	vmul.f32 v12, v7  }
0x8e: {  	s20 =	simm.s32 $0x310;
	v5 =	vshra.s32 v5, $0x17;
	v9 =	vadd.f32 $-1.270000000e+02, v9;
	[sflag:s17] =	ssyncadd.s32 $0xFFFFFF80;
	v3 =	vadd.f32 v3, v8  }
0x8f: {  	v2 =	vshra.s32 v2, $0x17;
	v8 =	vadd.f32 $3.376101850e-01, v11;
	v11 =	vld [tilespmem:s20+$0xFFFFFFF0];
	v10 =	vadd.f32 $-4.993359150e-01, v10  }
0x90: {  	v2 =	vcvt.s32.f32 v2;
	v9 =	vmul.f32 $6.931471820e-01, v9;
	v1 =	vadd.f32 $-3.331600060e-06, v1  }
0x91: {  	v5 =	vcvt.s32.f32 v5;
	v4 =	vadd.f32 v3, v4;
	v3 =	vmul.f32 v10, v7;
	v10 =	vld [tilespmem:s20+$0x0]  }
0x92: {  	v1 =	vadd.f32 v1, v9;
	v9 =	vsel vm0, $0x3F800000, v0;
	v8 =	vmul.f32 v8, v6  }
0x93: {  	v2 =	vadd.f32 v2, v9;
	v9 =	vsel vm1, $0x3F800000, v0;
	v3 =	vadd.f32 $9.999099960e-01, v3  }
0x94: {  	v5 =	vadd.f32 v5, v9;
	v8 =	vadd.f32 $-4.993359150e-01, v8;
	v12 =	vand.u32 $0x7FFFFF, v11  }
0x95: {  	v2 =	vadd.f32 $-1.270000000e+02, v2;
	v3 =	vmul.f32 v3, v7;
	v7 =	vor.u32 $0x3F800000, v12  }
0x96: {  	v8 =	vmul.f32 v8, v6;
	v9 =	vand.u32 $0x7FFFFF, v10;
	v12 =	vmul.f32 $5.000000000e-01, v7  }
0x97: {  	v5 =	vadd.f32 $-1.270000000e+02, v5;
	vm2 =	vgt.f32 v7, $1.414213540e+00;
	v9 =	vor.u32 $0x3F800000, v9  }
0x98: {  	v8 =	vadd.f32 $9.999099960e-01, v8;
	v13 =	vmul.f32 $5.000000000e-01, v9;
	v7 =	vsel vm2, v12, v7  }
0x99: {  	v12 =	vadd.f32 $-3.331600060e-06, v3;
	vm0 =	vgt.f32 v9, $1.414213540e+00;
	v3 =	vadd.f32 $-1.000000000e+00, v7  }
0x9a: {  	v2 =	vmul.f32 $6.931471820e-01, v2;
	v6 =	vmul.f32 v8, v6;
	v7 =	vsel vm0, v13, v9  }
0x9b: {  	s31 =	simm.s32 $0x330;
	v4 =	vadd.f32 v1, v4;
	v8 =	vmul.f32 $1.702839140e-01, v3;
	v1 =	vadd.f32 $-1.000000000e+00, v7  }
0x9c: {  	v6 =	vadd.f32 $-3.331600060e-06, v6;
	v9 =	vmul.f32 $6.931471820e-01, v5;
	v5 =	vld [tilespmem:s31+$0x0];
	v7 =	vadd.f32 v12, v2  }
0x9d: {  	v2 =	vld [tilespmem:s31+$0xFFFFFFF0];
	v8 =	vadd.f32 $-2.710963790e-01, v8;
	v12 =	vmul.f32 $1.702839140e-01, v1  }
0x9e: {  	v6 =	vadd.f32 v6, v9;
	v4 =	vadd.f32 v7, v4  }
0x9f: {  	v7 =	vmul.f32 v8, v3;
	v8 =	vadd.f32 $-2.710963790e-01, v12  }
0xa0: {  	v14 =	vsel vm2, $0x3F800000, v0;
	vm3 =	vmmov vm0;
	v4 =	vadd.f32 v6, v4  }
0xa1: {  	v6 =	vshra.s32 v10, $0x17;
	v7 =	vadd.f32 $3.376101850e-01, v7;
	v8 =	vmul.f32 v8, v1  }
0xa2: {  	v9 =	vand.u32 $0x7FFFFF, v5;
	v10 =	vshra.s32 v11, $0x17;
	v11 =	vand.u32 $0x7FFFFF, v2  }
0xa3: {  	v13 =	vcvt.s32.f32 v6;
	v6 =	vmul.f32 v7, v3;
	v7 =	vadd.f32 $3.376101850e-01, v8  }
0xa4: {  	v9 =	vor.u32 $0x3F800000, v9;
	v10 =	vcvt.s32.f32 v10;
	v8 =	vor.u32 $0x3F800000, v11  }
0xa5: {  	v11 =	vmul.f32 $5.000000000e-01, v8;
	v6 =	vadd.f32 $-4.993359150e-01, v6;
	v7 =	vmul.f32 v7, v1  }
0xa6: {  	vm1 =	vgt.f32 v9, $1.414213540e+00;
	v12 =	vmul.f32 $5.000000000e-01, v9;
	vm0 =	vgt.f32 v8, $1.414213540e+00  }
0xa7: {  	v8 =	vsel vm0, v11, v8;
	v6 =	vmul.f32 v6, v3;
	v15 =	vadd.f32 $-4.993359150e-01, v7  }
0xa8: {  	v9 =	vsel vm1, v12, v9;
	v7 =	vadd.f32 $-1.000000000e+00, v8;
	v8 =	vadd.f32 v10, v14  }
0xa9: {  	v14 =	vsel vm3, $0x3F800000, v0;
	v11 =	vadd.f32 $9.999099960e-01, v6;
	v10 =	vmul.f32 v15, v1  }
0xaa: {  	s21 =	simm.s32 $0x350;
	s20 =	simm.s32 $0x2;
	v12 =	vmul.f32 $1.702839140e-01, v7;
	v6 =	vadd.f32 $-1.000000000e+00, v9;
	v9 =	vadd.f32 v13, v14  }
.LBB2_6:
0xab: {  	v11 =	vmul.f32 v11, v3  }
0xac: {  	v13 =	vld [tilespmem:s21+$0x0];
	v8 =	vadd.f32 $-1.270000000e+02, v8;
	v10 =	vadd.f32 $9.999099960e-01, v10;
	v3 =	vmovc v7;
	vm2 =	vmmov vm1  }
0xad: {  	v7 =	vadd.f32 $-2.710963790e-01, v12;
	v12 =	vmul.f32 $1.702839140e-01, v6;
	v9 =	vadd.f32 $-1.270000000e+02, v9  }
0xae: {  	v14 =	vld [tilespmem:s21+$0xFFFFFFF0];
	v11 =	vadd.f32 $-3.331600060e-06, v11;
	v8 =	vmul.f32 $6.931471820e-01, v8;
	v10 =	vmul.f32 v10, v1;
	v1 =	vmovc v6  }
0xaf: {  	v6 =	vmul.f32 v7, v3;
	v7 =	vshra.s32 v5, $0x17;
	v12 =	vadd.f32 $-2.710963790e-01, v12  }
0xb0: {  	s20 =	sadd.s32 $0x2, s20;
	v9 =	vmul.f32 $6.931471820e-01, v9;
	v8 =	vadd.f32 v11, v8;
	v10 =	vadd.f32 $-3.331600060e-06, v10  }
0xb1: {  	v15 =	vshra.s32 v2, $0x17;
	p1 =	slt.u32 s20, $0x6;
	v11 =	vand.u32 $0x7FFFFF, v13;
	v6 =	vadd.f32 $3.376101850e-01, v6;
	v5 =	vmovc v13  }
0xb2: {  	v12 =	vmul.f32 v12, v1;
	v4 =	vadd.f32 v8, v4;
	v8 =	vadd.f32 v10, v9  }
0xb3: {  	v13 =	vcvt.s32.f32 v7;
	v10 =	vor.u32 $0x3F800000, v11;
	v9 =	vand.u32 $0x7FFFFF, v14;
	v2 =	vmovc v14  }
0xb4: {  	v6 =	vmul.f32 v6, v3;
	v7 =	vadd.f32 $3.376101850e-01, v12;
	v4 =	vadd.f32 v8, v4  }
0xb5: {  	vm1 =	vgt.f32 v10, $1.414213540e+00;
	v8 =	vor.u32 $0x3F800000, v9;
	v9 =	vcvt.s32.f32 v15  }
0xb6: {  	v11 =	vmul.f32 $5.000000000e-01, v8;
	v6 =	vadd.f32 $-4.993359150e-01, v6;
	v7 =	vmul.f32 v7, v1  }
.Ltmp2:
0xb7: {  	v12 =	vmul.f32 $5.000000000e-01, v10;
	v14 =	vsel vm0, $0x3F800000, v0;
	vm0 =	vgt.f32 v8, $1.414213540e+00;
	(pc) =	sbr.rel @p1 .LBB2_6-.Ltmp2, $4  }
0xb8: {  	v8 =	vsel vm0, v11, v8;
	v6 =	vmul.f32 v6, v3;
	v15 =	vadd.f32 $-4.993359150e-01, v7  }
0xb9: {  	v7 =	vadd.f32 $-1.000000000e+00, v8;
	v8 =	vadd.f32 v9, v14;
	v9 =	vsel vm2, $0x3F800000, v0  }
0xba: {  	v14 =	vsel vm1, v12, v10;
	v11 =	vadd.f32 $9.999099960e-01, v6;
	v10 =	vmul.f32 v15, v1  }
0xbb: {  	s21 =	sadd.s32 $0x20, s21;
	v6 =	vadd.f32 $-1.000000000e+00, v14;
	v9 =	vadd.f32 v13, v9;
	v12 =	vmul.f32 $1.702839140e-01, v7  }
0xbc: {  	_ = 	snop  }
0xbd: {  	v12 =	vadd.f32 $-2.710963790e-01, v12;
	_ =	sdelay $0x1  }
0xbe: {  	v13 =	vmul.f32 $1.702839140e-01, v6;
	v12 =	vmul.f32 v12, v7  }
0xbf: {  	v3 =	vmul.f32 v11, v3;
	v8 =	vadd.f32 $-1.270000000e+02, v8;
	v10 =	vadd.f32 $9.999099960e-01, v10  }
0xc0: {  	v11 =	vadd.f32 $-2.710963790e-01, v13;
	v12 =	vadd.f32 $3.376101850e-01, v12  }
0xc1: {  	_ =	swait.ge [sflag:s17], $0x80;
	v3 =	vadd.f32 $-3.331600060e-06, v3;
	v8 =	vmul.f32 $6.931471820e-01, v8;
	v1 =	vmul.f32 v10, v1  }
0xc2: {  	vm1 =	vmmov vm1;
	[sflag:s17] =	ssyncset.done $0x0;
	v11 =	vmul.f32 v11, v6;
	v10 =	vmul.f32 v12, v7  }
0xc3: {  	s20 =	simm.s32 $0x390;
	v5 =	vshra.s32 v5, $0x17;
	v9 =	vadd.f32 $-1.270000000e+02, v9;
	[sflag:s17] =	ssyncadd.s32 $0xFFFFFF80;
	v3 =	vadd.f32 v3, v8  }
0xc4: {  	v2 =	vshra.s32 v2, $0x17;
	v8 =	vadd.f32 $3.376101850e-01, v11;
	v11 =	vld [tilespmem:s20+$0xFFFFFFF0];
	v10 =	vadd.f32 $-4.993359150e-01, v10  }
0xc5: {  	v2 =	vcvt.s32.f32 v2;
	v9 =	vmul.f32 $6.931471820e-01, v9;
	v1 =	vadd.f32 $-3.331600060e-06, v1  }
0xc6: {  	v5 =	vcvt.s32.f32 v5;
	v4 =	vadd.f32 v3, v4;
	v3 =	vmul.f32 v10, v7;
	v10 =	vld [tilespmem:s20+$0x0]  }
0xc7: {  	v1 =	vadd.f32 v1, v9;
	v9 =	vsel vm0, $0x3F800000, v0;
	v8 =	vmul.f32 v8, v6  }
0xc8: {  	v2 =	vadd.f32 v2, v9;
	v9 =	vsel vm1, $0x3F800000, v0;
	v3 =	vadd.f32 $9.999099960e-01, v3  }
0xc9: {  	v5 =	vadd.f32 v5, v9;
	v8 =	vadd.f32 $-4.993359150e-01, v8;
	v12 =	vand.u32 $0x7FFFFF, v11  }
0xca: {  	v2 =	vadd.f32 $-1.270000000e+02, v2;
	v3 =	vmul.f32 v3, v7;
	v7 =	vor.u32 $0x3F800000, v12  }
0xcb: {  	v8 =	vmul.f32 v8, v6;
	v9 =	vand.u32 $0x7FFFFF, v10;
	v12 =	vmul.f32 $5.000000000e-01, v7  }
0xcc: {  	v5 =	vadd.f32 $-1.270000000e+02, v5;
	vm2 =	vgt.f32 v7, $1.414213540e+00;
	v9 =	vor.u32 $0x3F800000, v9  }
0xcd: {  	v8 =	vadd.f32 $9.999099960e-01, v8;
	v13 =	vmul.f32 $5.000000000e-01, v9;
	v7 =	vsel vm2, v12, v7  }
0xce: {  	v12 =	vadd.f32 $-3.331600060e-06, v3;
	vm0 =	vgt.f32 v9, $1.414213540e+00;
	v3 =	vadd.f32 $-1.000000000e+00, v7  }
0xcf: {  	v2 =	vmul.f32 $6.931471820e-01, v2;
	v6 =	vmul.f32 v8, v6;
	v7 =	vsel vm0, v13, v9  }
0xd0: {  	s31 =	simm.s32 $0x3B0;
	v8 =	vadd.f32 v1, v4;
	v9 =	vmul.f32 $1.702839140e-01, v3;
	v1 =	vadd.f32 $-1.000000000e+00, v7  }
0xd1: {  	v4 =	vld [tilespmem:s31+$0x0];
	v6 =	vadd.f32 $-3.331600060e-06, v6;
	v2 =	vadd.f32 v12, v2;
	v7 =	vmul.f32 $6.931471820e-01, v5  }
0xd2: {  	v5 =	vld [tilespmem:s31+$0xFFFFFFF0];
	v9 =	vadd.f32 $-2.710963790e-01, v9;
	v12 =	vmul.f32 $1.702839140e-01, v1  }
0xd3: {  	v2 =	vadd.f32 v2, v8;
	v6 =	vadd.f32 v6, v7  }
0xd4: {  	v7 =	vmul.f32 v9, v3;
	v8 =	vadd.f32 $-2.710963790e-01, v12  }
0xd5: {  	v14 =	vsel vm2, $0x3F800000, v0;
	vm3 =	vmmov vm0;
	v2 =	vadd.f32 v6, v2  }
0xd6: {  	v6 =	vshra.s32 v10, $0x17;
	v7 =	vadd.f32 $3.376101850e-01, v7;
	v8 =	vmul.f32 v8, v1  }
0xd7: {  	v9 =	vand.u32 $0x7FFFFF, v4;
	v10 =	vshra.s32 v11, $0x17;
	v11 =	vand.u32 $0x7FFFFF, v5  }
0xd8: {  	v13 =	vcvt.s32.f32 v6;
	v6 =	vmul.f32 v7, v3;
	v7 =	vadd.f32 $3.376101850e-01, v8  }
0xd9: {  	v9 =	vor.u32 $0x3F800000, v9;
	v10 =	vcvt.s32.f32 v10;
	v8 =	vor.u32 $0x3F800000, v11  }
0xda: {  	v11 =	vmul.f32 $5.000000000e-01, v8;
	v6 =	vadd.f32 $-4.993359150e-01, v6;
	v7 =	vmul.f32 v7, v1  }
0xdb: {  	vm1 =	vgt.f32 v9, $1.414213540e+00;
	v12 =	vmul.f32 $5.000000000e-01, v9;
	vm0 =	vgt.f32 v8, $1.414213540e+00  }
0xdc: {  	v8 =	vsel vm0, v11, v8;
	v6 =	vmul.f32 v6, v3;
	v15 =	vadd.f32 $-4.993359150e-01, v7  }
0xdd: {  	v7 =	vadd.f32 $-1.000000000e+00, v8;
	v8 =	vadd.f32 v10, v14;
	v10 =	vsel vm3, $0x3F800000, v0  }
0xde: {  	v14 =	vsel vm1, v12, v9;
	v10 =	vadd.f32 v13, v10;
	v11 =	vadd.f32 $9.999099960e-01, v6  }
0xdf: {  	s21 =	simm.s32 $0x3D0;
	s20 =	simm.s32 $0x2;
	v9 =	vmul.f32 v15, v1;
	v12 =	vmul.f32 $1.702839140e-01, v7;
	v6 =	vadd.f32 $-1.000000000e+00, v14  }
.LBB2_8:
0xe0: {  	v11 =	vmul.f32 v11, v3  }
0xe1: {  	v13 =	vld [tilespmem:s21+$0x0];
	v8 =	vadd.f32 $-1.270000000e+02, v8;
	v9 =	vadd.f32 $9.999099960e-01, v9;
	v3 =	vmovc v7;
	vm2 =	vmmov vm1  }
0xe2: {  	v7 =	vadd.f32 $-2.710963790e-01, v12;
	v12 =	vmul.f32 $1.702839140e-01, v6;
	v10 =	vadd.f32 $-1.270000000e+02, v10  }
0xe3: {  	v14 =	vld [tilespmem:s21+$0xFFFFFFF0];
	v11 =	vadd.f32 $-3.331600060e-06, v11;
	v8 =	vmul.f32 $6.931471820e-01, v8;
	v9 =	vmul.f32 v9, v1;
	v1 =	vmovc v6  }
0xe4: {  	v6 =	vmul.f32 v7, v3;
	v7 =	vshra.s32 v4, $0x17;
	v12 =	vadd.f32 $-2.710963790e-01, v12  }
0xe5: {  	s20 =	sadd.s32 $0x2, s20;
	v10 =	vmul.f32 $6.931471820e-01, v10;
	v8 =	vadd.f32 v11, v8;
	v9 =	vadd.f32 $-3.331600060e-06, v9  }
0xe6: {  	v15 =	vshra.s32 v5, $0x17;
	p1 =	slt.u32 s20, $0x6;
	v11 =	vand.u32 $0x7FFFFF, v13;
	v6 =	vadd.f32 $3.376101850e-01, v6;
	v4 =	vmovc v13  }
0xe7: {  	v12 =	vmul.f32 v12, v1;
	v2 =	vadd.f32 v8, v2;
	v8 =	vadd.f32 v9, v10  }
0xe8: {  	v13 =	vcvt.s32.f32 v7;
	v10 =	vor.u32 $0x3F800000, v11;
	v9 =	vand.u32 $0x7FFFFF, v14;
	v5 =	vmovc v14  }
0xe9: {  	v6 =	vmul.f32 v6, v3;
	v7 =	vadd.f32 $3.376101850e-01, v12;
	v2 =	vadd.f32 v8, v2  }
0xea: {  	vm1 =	vgt.f32 v10, $1.414213540e+00;
	v8 =	vor.u32 $0x3F800000, v9;
	v9 =	vcvt.s32.f32 v15  }
0xeb: {  	v11 =	vmul.f32 $5.000000000e-01, v8;
	v6 =	vadd.f32 $-4.993359150e-01, v6;
	v7 =	vmul.f32 v7, v1  }
.Ltmp3:
0xec: {  	v12 =	vmul.f32 $5.000000000e-01, v10;
	v14 =	vsel vm0, $0x3F800000, v0;
	vm0 =	vgt.f32 v8, $1.414213540e+00;
	(pc) =	sbr.rel @p1 .LBB2_8-.Ltmp3, $4  }
0xed: {  	v8 =	vsel vm0, v11, v8;
	v6 =	vmul.f32 v6, v3;
	v15 =	vadd.f32 $-4.993359150e-01, v7  }
0xee: {  	v7 =	vadd.f32 $-1.000000000e+00, v8;
	v8 =	vadd.f32 v9, v14;
	v14 =	vsel vm2, $0x3F800000, v0  }
0xef: {  	v10 =	vsel vm1, v12, v10;
	v11 =	vadd.f32 $9.999099960e-01, v6;
	v9 =	vmul.f32 v15, v1  }
0xf0: {  	s21 =	sadd.s32 $0x20, s21;
	v6 =	vadd.f32 $-1.000000000e+00, v10;
	v10 =	vadd.f32 v13, v14;
	v12 =	vmul.f32 $1.702839140e-01, v7  }
0xf1: {  	_ = 	snop  }
0xf2: {  	v12 =	vadd.f32 $-2.710963790e-01, v12;
	v13 =	vmul.f32 $1.702839140e-01, v6;
	_ =	sdelay $0x1  }
0xf3: {  	v12 =	vmul.f32 v12, v7;
	v13 =	vadd.f32 $-2.710963790e-01, v13;
	_ =	sdelay $0x1  }
0xf4: {  	v3 =	vmul.f32 v11, v3;
	v54 =	vadd.f32 $3.376101850e-01, v12;
	v55 =	vmul.f32 v13, v6  }
0xf5: {  	v8 =	vadd.f32 $-1.270000000e+02, v8;
	v9 =	vadd.f32 $9.999099960e-01, v9;
	vm1 =	vmmov vm1  }
0xf6: {  	v5 =	vshra.s32 v5, $0x17;
	v11 =	vmul.f32 v54, v7;
	v12 =	vadd.f32 $3.376101850e-01, v55  }
0xf7: {  	v4 =	vshra.s32 v4, $0x17;
	v58 =	vsel vm0, $0x3F800000, v0;
	v10 =	vadd.f32 $-1.270000000e+02, v10  }
0xf8: {  	v5 =	vcvt.s32.f32 v5;
	v56 =	vadd.f32 $-4.993359150e-01, v11;
	v57 =	vmul.f32 v12, v6  }
0xf9: {  	v4 =	vcvt.s32.f32 v4;
	v3 =	vadd.f32 $-3.331600060e-06, v3;
	v8 =	vmul.f32 $6.931471820e-01, v8  }
0xfa: {  	v1 =	vmul.f32 v9, v1;
	v9 =	vmul.f32 v56, v7;
	v11 =	vadd.f32 $-4.993359150e-01, v57  }
0xfb: {  	v59 =	vsel vm1, $0x3F800000, v0;
	v5 =	vadd.f32 v5, v58;
	v3 =	vadd.f32 v3, v8  }
0xfc: {  	v1 =	vadd.f32 $-3.331600060e-06, v1;
	v9 =	vadd.f32 $9.999099960e-01, v9;
	v11 =	vmul.f32 v11, v6  }
0xfd: {  	v10 =	vmul.f32 $6.931471820e-01, v10;
	v5 =	vadd.f32 $-1.270000000e+02, v5;
	v2 =	vadd.f32 v3, v2  }
0xfe: {  	v3 =	vadd.f32 v4, v59;
	v60 =	vmul.f32 v9, v7;
	v61 =	vadd.f32 $9.999099960e-01, v11  }
0xff: {  	v1 =	vadd.f32 v1, v10;
	v5 =	vmul.f32 $6.931471820e-01, v5  }
0x100: {  	v3 =	vadd.f32 $-1.270000000e+02, v3;
	v4 =	vadd.f32 $-3.331600060e-06, v60;
	v62 =	vmul.f32 v61, v6  }
0x101: {  	v1 =	vadd.f32 v1, v2  }
0x102: {  	v3 =	vmul.f32 $6.931471820e-01, v3;
	v2 =	vadd.f32 v4, v5;
	v63 =	vadd.f32 $-3.331600060e-06, v62;
	_ =	sdelay $0x1  }
0x103: {  	v1 =	vadd.f32 v2, v1;
	v2 =	vadd.f32 v63, v3;
	_ =	sdelay $0x1  }
0x104: {  	v1 =	vadd.f32 v2, v1;
	_ =	sdelay $0x1  }
0x105: {  	(xrf2) =	vadd.scan.msk.f32 $0xffff, v1;
	_ =	sdelay $0x9  }
0x106: {  	v1, _, _ =	vpop (xrf2)  }
0x107: {  	(v2sf) =	vpush v1, $0xF;
	_ =	sdelay $0xe  }
0x108: {  	s20 =	spop (v2sf)  }
0x109: {  	s20 =	smul.f32 $1.638400000e+04, s20;
	_ =	sdelay $0x1  }
0x10a: {  	s20 =	scvt.f32.s32 s20  }
0x10b: {  	[sflag:s18] =	ssyncset.done $0x0  }
0x10c: {  	[smem:s2], [sflag:$0x3] =	smem.add.s32 s20  }
0x10d: {  	_ =	swait.done [sflag:s18]  }
0x10e: {  	[sflag:s18] =	ssyncset.s32 $0x0  }
0x10f: {  	[sflag:s18] =	ssyncset.done $0x0  }
0x110: {  	[bflag:$0x0] =	sbarrier.arrive $0xFFFF  }
0x111: {  	s20 =	sld @!p0 [smem:$0x0];
	_ =	sdelay $0x2  }
0x112: {  	s20 =	scvt.s32.f32 @!p0 s20;
	_ =	sdelay $0x1  }
0x113: {  	s20 =	smul.f32 @!p0 $-3.725290300e-09, s20;
	_ =	sdelay $0x1  }
0x114: {  	s19 =	sadd.s32 $0x1, s19;
	v1 =	vmov @!p0 s20  }
0x115: {  	s21 =	simm.s32 @!p0 $0x400;
	p1 =	sne.s32 s19, s8;
	s20 =	simm.s32 @!p0 $0x0;
	[tilespmem:$0x400] =	vst @!p0 v1  }
0x116: {  	[hbm4b:s7+s20] =	stream.linear.scatter @!p0 [tilespmem:s21], [sflag:$0x4], $0x80, $0x38;
	[tilespmem:$0x480] =	vst v63  }
.Ltmp4:
0x117: {  	_ = 	snop;
	(pc) =	sbr.rel @p1 .LBB2_1-.Ltmp4, $4  }
0x118: {  	s20 =	simm.s32 @!p0 $0x4  }
0x119: {  	_ =	swait.ge @!p0 [sflag:s20], $0x80  }
0x11a: {  	[sflag:s20] =	ssyncset.done @!p0 $0x0  }
0x11b: {  	[sflag:s20] =	ssyncadd.s32 @!p0 $0xFFFFFF80  }
0x11c: {  	_ =	sfence.sel $0x180000  }
0x11d: {  	[bflag:$0x0] =	sbarrier.arrive $0xFFFF  }
0x11e: {  	_ =	strace $0x90000047  }
0x11f: {  	s0 =	sadd.s32 @!p0 $0x100000, s0;
	[bflag:$0x2] =	sbarrier.arrive $0xFFFF  }
0x120: {  	[sflag:s0] =	ssyncadd.tile.s32 @!p0 $0x1;
	_ =	shalt  }
.Lfunc_end2:
_tile_overlayer_lowered:
.L_overlay_start_2:
0x121: {  	(tag) =	ssettag $0x2  }
0x122: {  	s0 =	rddreg [dreg:$0x0];
	s2 =	stileid.u32  }
0x123: {  	s1 =	rddreg [dreg:$0x1];
	p0 =	sne.s32 s2, $0x0  }
0x124: {  	s3 =	rddreg [dreg:$0x2];
	[bflag:$0x3] =	sbarrier.arrive $0xFFFF;
	s2 =	simm.s32 @!p0 $0x1C03  }
0x125: {  	[timem:s3], [sflag:s2] =	dma.local @!p0 [hbm:s0], s1  }
0x126: {  	s0 =	simm.s32 @!p0 $0x3  }
0x127: {  	_ =	swait.ge @!p0 [sflag:s0], s1  }
0x128: {  	s1 =	ssub.s32 @!p0 $0x0, s1;
	[sflag:s0] =	ssyncset.done @!p0 $0x0  }
0x129: {  	[sflag:s0] =	ssyncadd.s32 @!p0 s1  }
0x12a: {  	[bflag:$0x3] =	sbarrier.arrive $0xFFFF  }
0x12b: {  	_ =	shalt  }

</sc_bundles>
